<compile_context>
chip_gen: v7x
topology: tpu7x:2x2x1
jax: 0.10.2.dev20260603
libtpu: 0.0.44.dev20260713+nightly
codegen_flags: <defaults>
</compile_context>

<pallas_src>
import jax
import jax.numpy as jnp
from jax import lax
from jax.experimental import pallas as pl
from jax.experimental.pallas import tpu as pltpu
from jax.experimental.pallas import tpu_sc as plsc

B, S, H, P, NUM_LABELS = 8, 2048, 1024, 64, 2
MAX_LEN = 63
NC, NS = 2, 16
CHUNK = 16
N_CHUNKS = P // CHUNK
N_ITEMS = B * N_CHUNKS
SC_CORES = 2
ITEMS_PER_WORKER = -(-N_ITEMS // (SC_CORES * NS))
TS = 2048
BB = 1


def _proj_kernel(seq_ref, wt_ref, out_ref):
    for k in range(BB):
        out_ref[k] = lax.dot_general(
            wt_ref[:], seq_ref[k], (((0,), (1,)), ((), ())),
            preferred_element_type=jnp.float32,
        )


def _span_kernel(proj_hbm, sidx_hbm, bias_hbm, out_hbm,
                 p0_v, p1_v, p2_v, p3_v, idx_v, bias_v, out_v, sem):
    wid = lax.axis_index("c") * NS + lax.axis_index("s")
    for it in range(ITEMS_PER_WORKER):
        item = wid * ITEMS_PER_WORKER + it
        _do_item(item, proj_hbm, sidx_hbm, bias_hbm, out_hbm,
                 p0_v, p1_v, p2_v, p3_v, idx_v, bias_v, out_v, sem)


def _do_item(item, proj_hbm, sidx_hbm, bias_hbm, out_hbm,
             p0_v, p1_v, p2_v, p3_v, idx_v, bias_v, out_v, sem):
    @pl.when(item < N_ITEMS)
    def _():
        b = item // N_CHUNKS
        chunk = item % N_CHUNKS
        copies = [
            pltpu.async_copy(proj_hbm.at[b, 0], p0_v, sem),
            pltpu.async_copy(proj_hbm.at[b, 1], p1_v, sem),
            pltpu.async_copy(proj_hbm.at[b, 2], p2_v, sem),
            pltpu.async_copy(proj_hbm.at[b, 3], p3_v, sem),
            pltpu.async_copy(sidx_hbm.at[b, chunk], idx_v, sem),
            pltpu.async_copy(bias_hbm, bias_v, sem),
        ]
        for c in copies:
            c.wait()

        s1 = idx_v[pl.ds(0, CHUNK)]
        e1 = idx_v[pl.ds(CHUNK, CHUNK)]
        s2 = idx_v[pl.ds(2 * CHUNK, CHUNK)]
        e2 = idx_v[pl.ds(3 * CHUNK, CHUNK)]
        inv1 = 1.0 / (e1 - s1).astype(jnp.float32)
        inv2 = 1.0 / (e2 - s2).astype(jnp.float32)

        zero = jnp.zeros((CHUNK,), jnp.float32)
        a0, a1, a2, a3 = zero, zero, zero, zero
        for t in range(MAX_LEN):
            p1 = s1 + t
            p2 = s2 + t
            m1 = p1 < e1
            m2 = p2 < e2
            a0 = a0 + jnp.where(m1, plsc.load_gather(p0_v, [p1]), zero)
            a1 = a1 + jnp.where(m1, plsc.load_gather(p1_v, [p1]), zero)
            a2 = a2 + jnp.where(m2, plsc.load_gather(p2_v, [p2]), zero)
            a3 = a3 + jnp.where(m2, plsc.load_gather(p3_v, [p2]), zero)

        l0 = a0 * inv1 + a2 * inv2 + bias_v[pl.ds(0, CHUNK)]
        l1 = a1 * inv1 + a3 * inv2 + bias_v[pl.ds(CHUNK, CHUNK)]
        two_iota = jnp.arange(0, 2 * CHUNK, 2, dtype=jnp.int32)
        plsc.store_scatter(out_v, [two_iota], l0)
        plsc.store_scatter(out_v, [two_iota + 1], l1)
        pltpu.sync_copy(out_v, out_hbm.at[b, pl.ds(chunk * NUM_LABELS * CHUNK,
                                                   NUM_LABELS * CHUNK)])


def kernel(sequence_output, pair_indices, W, b):
    Wt = jnp.concatenate([W[:, :H].T, W[:, H:].T], axis=1)

    sidx = (
        jnp.moveaxis(pair_indices[..., :4], -1, 1)
        .astype(jnp.int32)
        .reshape(B, 4, N_CHUNKS, CHUNK)
        .transpose(0, 2, 1, 3)
        .reshape(B, N_CHUNKS, 4 * CHUNK)
    )
    bias = jnp.broadcast_to(
        b.astype(jnp.float32)[:, None], (NUM_LABELS, CHUNK)
    ).reshape(NUM_LABELS * CHUNK)

    proj_fn = pl.pallas_call(
        _proj_kernel,
        grid=(B // BB, S // TS),
        in_specs=[
            pl.BlockSpec((BB, TS, H), lambda i, j: (i, j, 0)),
            pl.BlockSpec((H, 4), lambda i, j: (0, 0)),
        ],
        out_specs=pl.BlockSpec((BB, 4, TS), lambda i, j: (i, 0, j)),
        out_shape=jax.ShapeDtypeStruct((B, 4, S), jnp.float32),
    )
    span_fn = pl.kernel(
        _span_kernel,
        out_type=jax.ShapeDtypeStruct((B, N_CHUNKS * NUM_LABELS * CHUNK), jnp.float32),
        mesh=plsc.VectorSubcoreMesh(
            core_axis_name="c", subcore_axis_name="s", num_cores=SC_CORES
        ),
        compiler_params=pltpu.CompilerParams(
            needs_layout_passes=False, skip_device_barrier=True
        ),
        scratch_types=[
            pltpu.VMEM((S,), jnp.float32),
            pltpu.VMEM((S,), jnp.float32),
            pltpu.VMEM((S,), jnp.float32),
            pltpu.VMEM((S,), jnp.float32),
            pltpu.VMEM((4 * CHUNK,), jnp.int32),
            pltpu.VMEM((NUM_LABELS * CHUNK,), jnp.float32),
            pltpu.VMEM((NUM_LABELS * CHUNK,), jnp.float32),
            pltpu.SemaphoreType.DMA,
        ],
    )

    proj = proj_fn(sequence_output, Wt)
    out = span_fn(proj, sidx, bias)

    logits = out.reshape(-1, NUM_LABELS)
    labels = pair_indices[..., 4].reshape(-1)
    return (logits, labels)

# --- scband reference (transcript-rebuilt; emitter-appended) ---
"""Pipeline reference for scband-auxiliary-task-pair-78606491452413 (READ-ONLY COPY).

The authoritative reference and input builder live on the scoring server;
editing this copy changes nothing except your own understanding.
"""

import jax, jax.numpy as jnp
import numpy as np

B, S, H, P, NUM_LABELS = 8, 2048, 1024, 64, 2


def setup_inputs(seed: int = 0) -> dict:
    key = jax.random.key(seed)
    ks = jax.random.split(key, 8)
    sequence_output = jax.random.normal(ks[0], (B, S, H), dtype=jnp.float32)
    # Build valid span pairs: 0 <= start < end <= S, span length in [1, 64)
    s1 = jax.random.randint(ks[1], (B, P), 0, S - 64)
    l1 = jax.random.randint(ks[2], (B, P), 1, 64)
    e1 = s1 + l1
    s2 = jax.random.randint(ks[3], (B, P), 0, S - 64)
    l2 = jax.random.randint(ks[4], (B, P), 1, 64)
    e2 = s2 + l2
    labels = jax.random.randint(ks[5], (B, P), 0, NUM_LABELS)
    pair_indices = jnp.stack([s1, e1, s2, e2, labels], axis=-1)
    W = jax.random.normal(ks[6], (NUM_LABELS, 2 * H), dtype=jnp.float32) * 0.02
    b = jnp.zeros((NUM_LABELS,), dtype=jnp.float32)
    return {"sequence_output": sequence_output, "pair_indices": pair_indices, "W": W, "b": b}


def _span_means(sequence_output, s, e):
    # mean of sequence_output[i, s:e, :] computed exactly via prefix sums
    zero = jnp.zeros((sequence_output.shape[0], 1, sequence_output.shape[2]), sequence_output.dtype)
    csum = jnp.concatenate([zero, jnp.cumsum(sequence_output, axis=1)], axis=1)  # [B, S+1, H]
    top = jnp.take_along_axis(csum, e[:, :, None], axis=1)  # [B, P, H]
    bot = jnp.take_along_axis(csum, s[:, :, None], axis=1)  # [B, P, H]
    cnt = (e - s).astype(sequence_output.dtype)[:, :, None]
    return (top - bot) / cnt


def reference(sequence_output, pair_indices, W, b):
    s1 = pair_indices[..., 0]
    e1 = pair_indices[..., 1]
    s2 = pair_indices[..., 2]
    e2 = pair_indices[..., 3]
    labels = pair_indices[..., 4].reshape(-1)
    x = _span_means(sequence_output, s1, e1).reshape(-1, sequence_output.shape[-1])
    y = _span_means(sequence_output, s2, e2).reshape(-1, sequence_output.shape[-1])
    # dropout is identity in eval mode
    feats = jnp.concatenate([x, y], axis=1)  # [B*P, 2H]
    logits = feats @ W.T + b  # [B*P, NUM_LABELS]
    return (logits, labels)

if __name__ == "__main__":
    import jax
    _d = setup_inputs()
    print(jax.jit(kernel)(*tuple(_d.values())))

</pallas_src>

<mosaic_0001>
#map = affine_map<(d0, d1) -> (0, 0, 0)>
#map1 = affine_map<(d0, d1) -> (0)>
#map2 = affine_map<(d0, d1) -> (0, 0)>
module attributes {stable_mosaic.version = 14 : i64} {
  func.func @_span_kernel(%arg0: i32, %arg1: i32, %arg2: memref<8x4x2048xf32, #tpu.memory_space<hbm>>, %arg3: memref<8x4x64xi32, #tpu.memory_space<hbm>>, %arg4: memref<32xf32, #tpu.memory_space<hbm>>, %arg5: memref<8x128xf32, #tpu.memory_space<hbm>>, %arg6: memref<2048xf32, #tpu.memory_space<vmem>>, %arg7: memref<2048xf32, #tpu.memory_space<vmem>>, %arg8: memref<2048xf32, #tpu.memory_space<vmem>>, %arg9: memref<2048xf32, #tpu.memory_space<vmem>>, %arg10: memref<64xi32, #tpu.memory_space<vmem>>, %arg11: memref<32xf32, #tpu.memory_space<vmem>>, %arg12: memref<32xf32, #tpu.memory_space<vmem>>, %arg13: memref<!tpu.dma_semaphore, #tpu.memory_space<semaphore_mem>>) attributes {dimension_semantics = [#tpu.dimension_semantics<core_parallel>, #tpu.dimension_semantics<subcore_parallel>], iteration_bounds = array<i64: 2, 16>, scalar_prefetch = 0 : i64, scratch_operands = 8 : i64, tpu.core_type = #tpu.core_type<sc_vector_subcore>, window_params = [{transform_indices = #map}, {transform_indices = #map}, {transform_indices = #map1}, {transform_indices = #map2}]} {
    %mul3A = arith.constant 16 : i32
    %mul3A_0 = arith.muli %arg0, %mul3A : i32
    %add3A = arith.addi %mul3A_0, %arg1 : i32
    %mul3A_1 = arith.constant 1 : i32
    %mul3A_2 = arith.muli %add3A, %mul3A_1 : i32
    %add3A_3 = arith.constant 0 : i32
    %add3A_4 = arith.addi %mul3A_2, %add3A_3 : i32
    %lt3A = arith.constant 32 : i32
    %lt3A_5 = arith.cmpi slt, %add3A_4, %lt3A : i32
    %convert_element_type3A = arith.extui %lt3A_5 : i1 to i32
    %cond3A = arith.constant 0 : i32
    %cond3A_6 = arith.cmpi ne, %convert_element_type3A, %cond3A : i32
    scf.if %cond3A_6 {
      %jit3A = arith.constant 4 : i32
      %div3A = arith.divsi %add3A_4, %jit3A : i32
      %sign3A = arith.constant 0 : i32
      %sign3A_7 = arith.cmpi sgt, %add3A_4, %sign3A : i32
      %sign3A_8 = arith.extui %sign3A_7 : i1 to i32
      %sign3A_9 = arith.constant 0 : i32
      %sign3A_10 = arith.cmpi slt, %add3A_4, %sign3A_9 : i32
      %sign3A_11 = arith.extui %sign3A_10 : i1 to i32
      %sign3A_12 = arith.subi %sign3A_8, %sign3A_11 : i32
      %sign3A_13 = arith.constant 0 : i32
      %sign3A_14 = arith.cmpi sgt, %jit3A, %sign3A_13 : i32
      %sign3A_15 = arith.extui %sign3A_14 : i1 to i32
      %sign3A_16 = arith.constant 0 : i32
      %sign3A_17 = arith.cmpi slt, %jit3A, %sign3A_16 : i32
      %sign3A_18 = arith.extui %sign3A_17 : i1 to i32
      %sign3A_19 = arith.subi %sign3A_15, %sign3A_18 : i32
      %ne3A = arith.cmpi ne, %sign3A_12, %sign3A_19 : i32
      %rem3A = arith.remsi %add3A_4, %jit3A : i32
      %ne3A_20 = arith.constant 0 : i32
      %ne3A_21 = arith.cmpi ne, %rem3A, %ne3A_20 : i32
      %and3A = arith.andi %ne3A, %ne3A_21 : i1
      %sub3A = arith.constant 1 : i32
      %sub3A_22 = arith.subi %div3A, %sub3A : i32
      %select_n3A = arith.select %and3A, %sub3A_22, %div3A : i32
      %jit3A_23 = arith.constant 4 : i32
      %eq3A = arith.constant 0 : i32
      %eq3A_24 = arith.cmpi eq, %jit3A_23, %eq3A : i32
      %jit3A_25 = arith.constant 1 : i32
      %select_n3A_26 = arith.select %eq3A_24, %jit3A_25, %jit3A_23 : i32
      %rem3A_27 = arith.remsi %add3A_4, %select_n3A_26 : i32
      %ne3A_28 = arith.constant 0 : i32
      %ne3A_29 = arith.cmpi ne, %rem3A_27, %ne3A_28 : i32
      %lt3A_30 = arith.constant 0 : i32
      %lt3A_31 = arith.cmpi slt, %rem3A_27, %lt3A_30 : i32
      %lt3A_32 = arith.constant 0 : i32
      %lt3A_33 = arith.cmpi slt, %select_n3A_26, %lt3A_32 : i32
      %ne3A_34 = arith.xori %lt3A_31, %lt3A_33 : i1
      %and3A_35 = arith.andi %ne3A_34, %ne3A_29 : i1
      %add3A_36 = arith.addi %rem3A_27, %select_n3A_26 : i32
      %select_n3A_37 = arith.select %and3A_35, %add3A_36, %rem3A_27 : i32
      %dma_start3A = arith.constant 0 : i32
      %dma_start3A_38 = arith.constant 0 : i32
      %dma_start3A_39 = tpu.memref_slice %arg2[%select_n3A, %dma_start3A, %dma_start3A_38] : memref<8x4x2048xf32, #tpu.memory_space<hbm>> -> memref<1x1x2048xf32, #tpu.memory_space<hbm>>
      %dma_start3A_40 = tpu.memref_squeeze %dma_start3A_39 : memref<1x1x2048xf32, #tpu.memory_space<hbm>> -> memref<2048xf32, #tpu.memory_space<hbm>>
      %dma_start3A_41 = arith.constant 0 : i32
      %dma_start3A_42 = tpu.memref_slice %arg2[%select_n3A, %dma_start3A, %dma_start3A_41] : memref<8x4x2048xf32, #tpu.memory_space<hbm>> -> memref<1x1x2048xf32, #tpu.memory_space<hbm>>
      %dma_start3A_43 = tpu.memref_squeeze %dma_start3A_42 : memref<1x1x2048xf32, #tpu.memory_space<hbm>> -> memref<2048xf32, #tpu.memory_space<hbm>>
      tpu.enqueue_dma source(%dma_start3A_43 : memref<2048xf32, #tpu.memory_space<hbm>>) target(%arg6 : memref<2048xf32, #tpu.memory_space<vmem>>) target_semaphore(%arg13 : memref<!tpu.dma_semaphore, #tpu.memory_space<semaphore_mem>>)
      %dma_start3A_44 = arith.constant 1 : i32
      %dma_start3A_45 = arith.constant 0 : i32
      %dma_start3A_46 = tpu.memref_slice %arg2[%select_n3A, %dma_start3A_44, %dma_start3A_45] : memref<8x4x2048xf32, #tpu.memory_space<hbm>> -> memref<1x1x2048xf32, #tpu.memory_space<hbm>>
      %dma_start3A_47 = tpu.memref_squeeze %dma_start3A_46 : memref<1x1x2048xf32, #tpu.memory_space<hbm>> -> memref<2048xf32, #tpu.memory_space<hbm>>
      %dma_start3A_48 = arith.constant 0 : i32
      %dma_start3A_49 = tpu.memref_slice %arg2[%select_n3A, %dma_start3A_44, %dma_start3A_48] : memref<8x4x2048xf32, #tpu.memory_space<hbm>> -> memref<1x1x2048xf32, #tpu.memory_space<hbm>>
      %dma_start3A_50 = tpu.memref_squeeze %dma_start3A_49 : memref<1x1x2048xf32, #tpu.memory_space<hbm>> -> memref<2048xf32, #tpu.memory_space<hbm>>
      tpu.enqueue_dma source(%dma_start3A_50 : memref<2048xf32, #tpu.memory_space<hbm>>) target(%arg7 : memref<2048xf32, #tpu.memory_space<vmem>>) target_semaphore(%arg13 : memref<!tpu.dma_semaphore, #tpu.memory_space<semaphore_mem>>)
      %dma_start3A_51 = arith.constant 2 : i32
      %dma_start3A_52 = arith.constant 0 : i32
      %dma_start3A_53 = tpu.memref_slice %arg2[%select_n3A, %dma_start3A_51, %dma_start3A_52] : memref<8x4x2048xf32, #tpu.memory_space<hbm>> -> memref<1x1x2048xf32, #tpu.memory_space<hbm>>
      %dma_start3A_54 = tpu.memref_squeeze %dma_start3A_53 : memref<1x1x2048xf32, #tpu.memory_space<hbm>> -> memref<2048xf32, #tpu.memory_space<hbm>>
      %dma_start3A_55 = arith.constant 0 : i32
      %dma_start3A_56 = tpu.memref_slice %arg2[%select_n3A, %dma_start3A_51, %dma_start3A_55] : memref<8x4x2048xf32, #tpu.memory_space<hbm>> -> memref<1x1x2048xf32, #tpu.memory_space<hbm>>
      %dma_start3A_57 = tpu.memref_squeeze %dma_start3A_56 : memref<1x1x2048xf32, #tpu.memory_space<hbm>> -> memref<2048xf32, #tpu.memory_space<hbm>>
      tpu.enqueue_dma source(%dma_start3A_57 : memref<2048xf32, #tpu.memory_space<hbm>>) target(%arg8 : memref<2048xf32, #tpu.memory_space<vmem>>) target_semaphore(%arg13 : memref<!tpu.dma_semaphore, #tpu.memory_space<semaphore_mem>>)
      %dma_start3A_58 = arith.constant 3 : i32
      %dma_start3A_59 = arith.constant 0 : i32
      %dma_start3A_60 = tpu.memref_slice %arg2[%select_n3A, %dma_start3A_58, %dma_start3A_59] : memref<8x4x2048xf32, #tpu.memory_space<hbm>> -> memref<1x1x2048xf32, #tpu.memory_space<hbm>>
      %dma_start3A_61 = tpu.memref_squeeze %dma_start3A_60 : memref<1x1x2048xf32, #tpu.memory_space<hbm>> -> memref<2048xf32, #tpu.memory_space<hbm>>
      %dma_start3A_62 = arith.constant 0 : i32
      %dma_start3A_63 = tpu.memref_slice %arg2[%select_n3A, %dma_start3A_58, %dma_start3A_62] : memref<8x4x2048xf32, #tpu.memory_space<hbm>> -> memref<1x1x2048xf32, #tpu.memory_space<hbm>>
      %dma_start3A_64 = tpu.memref_squeeze %dma_start3A_63 : memref<1x1x2048xf32, #tpu.memory_space<hbm>> -> memref<2048xf32, #tpu.memory_space<hbm>>
      tpu.enqueue_dma source(%dma_start3A_64 : memref<2048xf32, #tpu.memory_space<hbm>>) target(%arg9 : memref<2048xf32, #tpu.memory_space<vmem>>) target_semaphore(%arg13 : memref<!tpu.dma_semaphore, #tpu.memory_space<semaphore_mem>>)
      %dma_start3A_65 = arith.constant 0 : i32
      %dma_start3A_66 = tpu.memref_slice %arg3[%select_n3A, %select_n3A_37, %dma_start3A_65] : memref<8x4x64xi32, #tpu.memory_space<hbm>> -> memref<1x1x64xi32, #tpu.memory_space<hbm>>
      %dma_start3A_67 = tpu.memref_squeeze %dma_start3A_66 : memref<1x1x64xi32, #tpu.memory_space<hbm>> -> memref<64xi32, #tpu.memory_space<hbm>>
      %dma_start3A_68 = arith.constant 0 : i32
      %dma_start3A_69 = tpu.memref_slice %arg3[%select_n3A, %select_n3A_37, %dma_start3A_68] : memref<8x4x64xi32, #tpu.memory_space<hbm>> -> memref<1x1x64xi32, #tpu.memory_space<hbm>>
      %dma_start3A_70 = tpu.memref_squeeze %dma_start3A_69 : memref<1x1x64xi32, #tpu.memory_space<hbm>> -> memref<64xi32, #tpu.memory_space<hbm>>
      tpu.enqueue_dma source(%dma_start3A_70 : memref<64xi32, #tpu.memory_space<hbm>>) target(%arg10 : memref<64xi32, #tpu.memory_space<vmem>>) target_semaphore(%arg13 : memref<!tpu.dma_semaphore, #tpu.memory_space<semaphore_mem>>)
      tpu.enqueue_dma source(%arg4 : memref<32xf32, #tpu.memory_space<hbm>>) target(%arg11 : memref<32xf32, #tpu.memory_space<vmem>>) target_semaphore(%arg13 : memref<!tpu.dma_semaphore, #tpu.memory_space<semaphore_mem>>)
      %dma_wait3A = arith.constant 0 : i32
      %dma_wait3A_71 = arith.constant 0 : i32
      %dma_wait3A_72 = tpu.memref_slice %arg2[%select_n3A, %dma_wait3A, %dma_wait3A_71] : memref<8x4x2048xf32, #tpu.memory_space<hbm>> -> memref<1x1x2048xf32, #tpu.memory_space<hbm>>
      %dma_wait3A_73 = tpu.memref_squeeze %dma_wait3A_72 : memref<1x1x2048xf32, #tpu.memory_space<hbm>> -> memref<2048xf32, #tpu.memory_space<hbm>>
      %dma_wait3A_74 = arith.constant 0 : i32
      %dma_wait3A_75 = tpu.memref_slice %arg2[%select_n3A, %dma_wait3A, %dma_wait3A_74] : memref<8x4x2048xf32, #tpu.memory_space<hbm>> -> memref<1x1x2048xf32, #tpu.memory_space<hbm>>
      %dma_wait3A_76 = tpu.memref_squeeze %dma_wait3A_75 : memref<1x1x2048xf32, #tpu.memory_space<hbm>> -> memref<2048xf32, #tpu.memory_space<hbm>>
      tpu.wait_dma2 semaphore(%arg13 : memref<!tpu.dma_semaphore, #tpu.memory_space<semaphore_mem>>) src(%dma_wait3A_76 : memref<2048xf32, #tpu.memory_space<hbm>>) dst(%arg6 : memref<2048xf32, #tpu.memory_space<vmem>>)
      %dma_wait3A_77 = arith.constant 1 : i32
      %dma_wait3A_78 = arith.constant 0 : i32
      %dma_wait3A_79 = tpu.memref_slice %arg2[%select_n3A, %dma_wait3A_77, %dma_wait3A_78] : memref<8x4x2048xf32, #tpu.memory_space<hbm>> -> memref<1x1x2048xf32, #tpu.memory_space<hbm>>
      %dma_wait3A_80 = tpu.memref_squeeze %dma_wait3A_79 : memref<1x1x2048xf32, #tpu.memory_space<hbm>> -> memref<2048xf32, #tpu.memory_space<hbm>>
      %dma_wait3A_81 = arith.constant 0 : i32
      %dma_wait3A_82 = tpu.memref_slice %arg2[%select_n3A, %dma_wait3A_77, %dma_wait3A_81] : memref<8x4x2048xf32, #tpu.memory_space<hbm>> -> memref<1x1x2048xf32, #tpu.memory_space<hbm>>
      %dma_wait3A_83 = tpu.memref_squeeze %dma_wait3A_82 : memref<1x1x2048xf32, #tpu.memory_space<hbm>> -> memref<2048xf32, #tpu.memory_space<hbm>>
      tpu.wait_dma2 semaphore(%arg13 : memref<!tpu.dma_semaphore, #tpu.memory_space<semaphore_mem>>) src(%dma_wait3A_83 : memref<2048xf32, #tpu.memory_space<hbm>>) dst(%arg7 : memref<2048xf32, #tpu.memory_space<vmem>>)
      %dma_wait3A_84 = arith.constant 2 : i32
      %dma_wait3A_85 = arith.constant 0 : i32
      %dma_wait3A_86 = tpu.memref_slice %arg2[%select_n3A, %dma_wait3A_84, %dma_wait3A_85] : memref<8x4x2048xf32, #tpu.memory_space<hbm>> -> memref<1x1x2048xf32, #tpu.memory_space<hbm>>
      %dma_wait3A_87 = tpu.memref_squeeze %dma_wait3A_86 : memref<1x1x2048xf32, #tpu.memory_space<hbm>> -> memref<2048xf32, #tpu.memory_space<hbm>>
      %dma_wait3A_88 = arith.constant 0 : i32
      %dma_wait3A_89 = tpu.memref_slice %arg2[%select_n3A, %dma_wait3A_84, %dma_wait3A_88] : memref<8x4x2048xf32, #tpu.memory_space<hbm>> -> memref<1x1x2048xf32, #tpu.memory_space<hbm>>
      %dma_wait3A_90 = tpu.memref_squeeze %dma_wait3A_89 : memref<1x1x2048xf32, #tpu.memory_space<hbm>> -> memref<2048xf32, #tpu.memory_space<hbm>>
      tpu.wait_dma2 semaphore(%arg13 : memref<!tpu.dma_semaphore, #tpu.memory_space<semaphore_mem>>) src(%dma_wait3A_90 : memref<2048xf32, #tpu.memory_space<hbm>>) dst(%arg8 : memref<2048xf32, #tpu.memory_space<vmem>>)
      %dma_wait3A_91 = arith.constant 3 : i32
      %dma_wait3A_92 = arith.constant 0 : i32
      %dma_wait3A_93 = tpu.memref_slice %arg2[%select_n3A, %dma_wait3A_91, %dma_wait3A_92] : memref<8x4x2048xf32, #tpu.memory_space<hbm>> -> memref<1x1x2048xf32, #tpu.memory_space<hbm>>
      %dma_wait3A_94 = tpu.memref_squeeze %dma_wait3A_93 : memref<1x1x2048xf32, #tpu.memory_space<hbm>> -> memref<2048xf32, #tpu.memory_space<hbm>>
      %dma_wait3A_95 = arith.constant 0 : i32
      %dma_wait3A_96 = tpu.memref_slice %arg2[%select_n3A, %dma_wait3A_91, %dma_wait3A_95] : memref<8x4x2048xf32, #tpu.memory_space<hbm>> -> memref<1x1x2048xf32, #tpu.memory_space<hbm>>
      %dma_wait3A_97 = tpu.memref_squeeze %dma_wait3A_96 : memref<1x1x2048xf32, #tpu.memory_space<hbm>> -> memref<2048xf32, #tpu.memory_space<hbm>>
      tpu.wait_dma2 semaphore(%arg13 : memref<!tpu.dma_semaphore, #tpu.memory_space<semaphore_mem>>) src(%dma_wait3A_97 : memref<2048xf32, #tpu.memory_space<hbm>>) dst(%arg9 : memref<2048xf32, #tpu.memory_space<vmem>>)
      %dma_wait3A_98 = arith.constant 0 : i32
      %dma_wait3A_99 = tpu.memref_slice %arg3[%select_n3A, %select_n3A_37, %dma_wait3A_98] : memref<8x4x64xi32, #tpu.memory_space<hbm>> -> memref<1x1x64xi32, #tpu.memory_space<hbm>>
      %dma_wait3A_100 = tpu.memref_squeeze %dma_wait3A_99 : memref<1x1x64xi32, #tpu.memory_space<hbm>> -> memref<64xi32, #tpu.memory_space<hbm>>
      %dma_wait3A_101 = arith.constant 0 : i32
      %dma_wait3A_102 = tpu.memref_slice %arg3[%select_n3A, %select_n3A_37, %dma_wait3A_101] : memref<8x4x64xi32, #tpu.memory_space<hbm>> -> memref<1x1x64xi32, #tpu.memory_space<hbm>>
      %dma_wait3A_103 = tpu.memref_squeeze %dma_wait3A_102 : memref<1x1x64xi32, #tpu.memory_space<hbm>> -> memref<64xi32, #tpu.memory_space<hbm>>
      tpu.wait_dma2 semaphore(%arg13 : memref<!tpu.dma_semaphore, #tpu.memory_space<semaphore_mem>>) src(%dma_wait3A_103 : memref<64xi32, #tpu.memory_space<hbm>>) dst(%arg10 : memref<64xi32, #tpu.memory_space<vmem>>)
      tpu.wait_dma2 semaphore(%arg13 : memref<!tpu.dma_semaphore, #tpu.memory_space<semaphore_mem>>) src(%arg4 : memref<32xf32, #tpu.memory_space<hbm>>) dst(%arg11 : memref<32xf32, #tpu.memory_space<vmem>>)
      %get3A = arith.constant 0 : index
      %get3A_104 = tpu.vector_load %arg10[%get3A] {strides = array<i32>} : memref<64xi32, #tpu.memory_space<vmem>>, vector<16xi32>,
      %get3A_105 = arith.constant 16 : index
      %get3A_106 = tpu.vector_load %arg10[%get3A_105] {strides = array<i32>} : memref<64xi32, #tpu.memory_space<vmem>>, vector<16xi32>,
      %get3A_107 = arith.constant 32 : index
      %get3A_108 = tpu.vector_load %arg10[%get3A_107] {strides = array<i32>} : memref<64xi32, #tpu.memory_space<vmem>>, vector<16xi32>,
      %get3A_109 = arith.constant 48 : index
      %get3A_110 = tpu.vector_load %arg10[%get3A_109] {strides = array<i32>} : memref<64xi32, #tpu.memory_space<vmem>>, vector<16xi32>,
      %sub3A_111 = arith.subi %get3A_106, %get3A_104 : vector<16xi32>
      %convert_element_type3A_112 = arith.sitofp %sub3A_111 : vector<16xi32> to vector<16xf32>
      %div3A_113 = arith.constant 1.000000e+00 : f32
      %div3A_114 = vector.broadcast %div3A_113 : f32 to vector<16xf32>
      %div3A_115 = arith.divf %div3A_114, %convert_element_type3A_112 : vector<16xf32>
      %sub3A_116 = arith.subi %get3A_110, %get3A_108 : vector<16xi32>
      %convert_element_type3A_117 = arith.sitofp %sub3A_116 : vector<16xi32> to vector<16xf32>
      %div3A_118 = arith.constant 1.000000e+00 : f32
      %div3A_119 = vector.broadcast %div3A_118 : f32 to vector<16xf32>
      %div3A_120 = arith.divf %div3A_119, %convert_element_type3A_117 : vector<16xf32>
      %broadcast_in_dim3A = arith.constant 0.000000e+00 : f32
      %broadcast_in_dim3A_121 = vector.broadcast %broadcast_in_dim3A : f32 to vector<16xf32>
      %add3A_122 = arith.constant 0 : i32
      %add3A_123 = vector.broadcast %add3A_122 : i32 to vector<16xi32>
      %add3A_124 = arith.addi %get3A_104, %add3A_123 : vector<16xi32>
      %add3A_125 = arith.constant 0 : i32
      %add3A_126 = vector.broadcast %add3A_125 : i32 to vector<16xi32>
      %add3A_127 = arith.addi %get3A_108, %add3A_126 : vector<16xi32>
      %lt3A_128 = arith.cmpi slt, %add3A_124, %get3A_106 : vector<16xi32>
      %lt3A_129 = arith.cmpi slt, %add3A_127, %get3A_110 : vector<16xi32>
      %gather3A = tpu.vector_load_idx %arg6[%add3A_124] : memref<2048xf32, #tpu.memory_space<vmem>>[vector<16xi32>], vector<16xf32>,
      %select_n3A_130 = arith.select %lt3A_128, %gather3A, %broadcast_in_dim3A_121 : vector<16xi1>, vector<16xf32>
      %add3A_131 = arith.addf %broadcast_in_dim3A_121, %select_n3A_130 : vector<16xf32>
      %gather3A_132 = tpu.vector_load_idx %arg7[%add3A_124] : memref<2048xf32, #tpu.memory_space<vmem>>[vector<16xi32>], vector<16xf32>,
      %select_n3A_133 = arith.select %lt3A_128, %gather3A_132, %broadcast_in_dim3A_121 : vector<16xi1>, vector<16xf32>
      %add3A_134 = arith.addf %broadcast_in_dim3A_121, %select_n3A_133 : vector<16xf32>
      %gather3A_135 = tpu.vector_load_idx %arg8[%add3A_127] : memref<2048xf32, #tpu.memory_space<vmem>>[vector<16xi32>], vector<16xf32>,
      %select_n3A_136 = arith.select %lt3A_129, %gather3A_135, %broadcast_in_dim3A_121 : vector<16xi1>, vector<16xf32>
      %add3A_137 = arith.addf %broadcast_in_dim3A_121, %select_n3A_136 : vector<16xf32>
      %gather3A_138 = tpu.vector_load_idx %arg9[%add3A_127] : memref<2048xf32, #tpu.memory_space<vmem>>[vector<16xi32>], vector<16xf32>,
      %select_n3A_139 = arith.select %lt3A_129, %gather3A_138, %broadcast_in_dim3A_121 : vector<16xi1>, vector<16xf32>
      %add3A_140 = arith.addf %broadcast_in_dim3A_121, %select_n3A_139 : vector<16xf32>
      %add3A_141 = arith.constant 1 : i32
      %add3A_142 = vector.broadcast %add3A_141 : i32 to vector<16xi32>
      %add3A_143 = arith.addi %get3A_104, %add3A_142 : vector<16xi32>
      %add3A_144 = arith.constant 1 : i32
      %add3A_145 = vector.broadcast %add3A_144 : i32 to vector<16xi32>
      %add3A_146 = arith.addi %get3A_108, %add3A_145 : vector<16xi32>
      %lt3A_147 = arith.cmpi slt, %add3A_143, %get3A_106 : vector<16xi32>
      %lt3A_148 = arith.cmpi slt, %add3A_146, %get3A_110 : vector<16xi32>
      %gather3A_149 = tpu.vector_load_idx %arg6[%add3A_143] : memref<2048xf32, #tpu.memory_space<vmem>>[vector<16xi32>], vector<16xf32>,
      %select_n3A_150 = arith.select %lt3A_147, %gather3A_149, %broadcast_in_dim3A_121 : vector<16xi1>, vector<16xf32>
      %add3A_151 = arith.addf %add3A_131, %select_n3A_150 : vector<16xf32>
      %gather3A_152 = tpu.vector_load_idx %arg7[%add3A_143] : memref<2048xf32, #tpu.memory_space<vmem>>[vector<16xi32>], vector<16xf32>,
      %select_n3A_153 = arith.select %lt3A_147, %gather3A_152, %broadcast_in_dim3A_121 : vector<16xi1>, vector<16xf32>
      %add3A_154 = arith.addf %add3A_134, %select_n3A_153 : vector<16xf32>
      %gather3A_155 = tpu.vector_load_idx %arg8[%add3A_146] : memref<2048xf32, #tpu.memory_space<vmem>>[vector<16xi32>], vector<16xf32>,
      %select_n3A_156 = arith.select %lt3A_148, %gather3A_155, %broadcast_in_dim3A_121 : vector<16xi1>, vector<16xf32>
      %add3A_157 = arith.addf %add3A_137, %select_n3A_156 : vector<16xf32>
      %gather3A_158 = tpu.vector_load_idx %arg9[%add3A_146] : memref<2048xf32, #tpu.memory_space<vmem>>[vector<16xi32>], vector<16xf32>,
      %select_n3A_159 = arith.select %lt3A_148, %gather3A_158, %broadcast_in_dim3A_121 : vector<16xi1>, vector<16xf32>
      %add3A_160 = arith.addf %add3A_140, %select_n3A_159 : vector<16xf32>
      %add3A_161 = arith.constant 2 : i32
      %add3A_162 = vector.broadcast %add3A_161 : i32 to vector<16xi32>
      %add3A_163 = arith.addi %get3A_104, %add3A_162 : vector<16xi32>
      %add3A_164 = arith.constant 2 : i32
      %add3A_165 = vector.broadcast %add3A_164 : i32 to vector<16xi32>
      %add3A_166 = arith.addi %get3A_108, %add3A_165 : vector<16xi32>
      %lt3A_167 = arith.cmpi slt, %add3A_163, %get3A_106 : vector<16xi32>
      %lt3A_168 = arith.cmpi slt, %add3A_166, %get3A_110 : vector<16xi32>
      %gather3A_169 = tpu.vector_load_idx %arg6[%add3A_163] : memref<2048xf32, #tpu.memory_space<vmem>>[vector<16xi32>], vector<16xf32>,
      %select_n3A_170 = arith.select %lt3A_167, %gather3A_169, %broadcast_in_dim3A_121 : vector<16xi1>, vector<16xf32>
      %add3A_171 = arith.addf %add3A_151, %select_n3A_170 : vector<16xf32>
      %gather3A_172 = tpu.vector_load_idx %arg7[%add3A_163] : memref<2048xf32, #tpu.memory_space<vmem>>[vector<16xi32>], vector<16xf32>,
      %select_n3A_173 = arith.select %lt3A_167, %gather3A_172, %broadcast_in_dim3A_121 : vector<16xi1>, vector<16xf32>
      %add3A_174 = arith.addf %add3A_154, %select_n3A_173 : vector<16xf32>
      %gather3A_175 = tpu.vector_load_idx %arg8[%add3A_166] : memref<2048xf32, #tpu.memory_space<vmem>>[vector<16xi32>], vector<16xf32>,
      %select_n3A_176 = arith.select %lt3A_168, %gather3A_175, %broadcast_in_dim3A_121 : vector<16xi1>, vector<16xf32>
      %add3A_177 = arith.addf %add3A_157, %select_n3A_176 : vector<16xf32>
      %gather3A_178 = tpu.vector_load_idx %arg9[%add3A_166] : memref<2048xf32, #tpu.memory_space<vmem>>[vector<16xi32>], vector<16xf32>,
      %select_n3A_179 = arith.select %lt3A_168, %gather3A_178, %broadcast_in_dim3A_121 : vector<16xi1>, vector<16xf32>
      %add3A_180 = arith.addf %add3A_160, %select_n3A_179 : vector<16xf32>
      %add3A_181 = arith.constant 3 : i32
      %add3A_182 = vector.broadcast %add3A_181 : i32 to vector<16xi32>
      %add3A_183 = arith.addi %get3A_104, %add3A_182 : vector<16xi32>
      %add3A_184 = arith.constant 3 : i32
      %add3A_185 = vector.broadcast %add3A_184 : i32 to vector<16xi32>
      %add3A_186 = arith.addi %get3A_108, %add3A_185 : vector<16xi32>
      %lt3A_187 = arith.cmpi slt, %add3A_183, %get3A_106 : vector<16xi32>
      %lt3A_188 = arith.cmpi slt, %add3A_186, %get3A_110 : vector<16xi32>
      %gather3A_189 = tpu.vector_load_idx %arg6[%add3A_183] : memref<2048xf32, #tpu.memory_space<vmem>>[vector<16xi32>], vector<16xf32>,
      %select_n3A_190 = arith.select %lt3A_187, %gather3A_189, %broadcast_in_dim3A_121 : vector<16xi1>, vector<16xf32>
      %add3A_191 = arith.addf %add3A_171, %select_n3A_190 : vector<16xf32>
      %gather3A_192 = tpu.vector_load_idx %arg7[%add3A_183] : memref<2048xf32, #tpu.memory_space<vmem>>[vector<16xi32>], vector<16xf32>,
      %select_n3A_193 = arith.select %lt3A_187, %gather3A_192, %broadcast_in_dim3A_121 : vector<16xi1>, vector<16xf32>
      %add3A_194 = arith.addf %add3A_174, %select_n3A_193 : vector<16xf32>
      %gather3A_195 = tpu.vector_load_idx %arg8[%add3A_186] : memref<2048xf32, #tpu.memory_space<vmem>>[vector<16xi32>], vector<16xf32>,
      %select_n3A_196 = arith.select %lt3A_188, %gather3A_195, %broadcast_in_dim3A_121 : vector<16xi1>, vector<16xf32>
      %add3A_197 = arith.addf %add3A_177, %select_n3A_196 : vector<16xf32>
      %gather3A_198 = tpu.vector_load_idx %arg9[%add3A_186] : memref<2048xf32, #tpu.memory_space<vmem>>[vector<16xi32>], vector<16xf32>,
      %select_n3A_199 = arith.select %lt3A_188, %gather3A_198, %broadcast_in_dim3A_121 : vector<16xi1>, vector<16xf32>
      %add3A_200 = arith.addf %add3A_180, %select_n3A_199 : vector<16xf32>
      %add3A_201 = arith.constant 4 : i32
      %add3A_202 = vector.broadcast %add3A_201 : i32 to vector<16xi32>
      %add3A_203 = arith.addi %get3A_104, %add3A_202 : vector<16xi32>
      %add3A_204 = arith.constant 4 : i32
      %add3A_205 = vector.broadcast %add3A_204 : i32 to vector<16xi32>
      %add3A_206 = arith.addi %get3A_108, %add3A_205 : vector<16xi32>
      %lt3A_207 = arith.cmpi slt, %add3A_203, %get3A_106 : vector<16xi32>
      %lt3A_208 = arith.cmpi slt, %add3A_206, %get3A_110 : vector<16xi32>
      %gather3A_209 = tpu.vector_load_idx %arg6[%add3A_203] : memref<2048xf32, #tpu.memory_space<vmem>>[vector<16xi32>], vector<16xf32>,
      %select_n3A_210 = arith.select %lt3A_207, %gather3A_209, %broadcast_in_dim3A_121 : vector<16xi1>, vector<16xf32>
      %add3A_211 = arith.addf %add3A_191, %select_n3A_210 : vector<16xf32>
      %gather3A_212 = tpu.vector_load_idx %arg7[%add3A_203] : memref<2048xf32, #tpu.memory_space<vmem>>[vector<16xi32>], vector<16xf32>,
      %select_n3A_213 = arith.select %lt3A_207, %gather3A_212, %broadcast_in_dim3A_121 : vector<16xi1>, vector<16xf32>
      %add3A_214 = arith.addf %add3A_194, %select_n3A_213 : vector<16xf32>
      %gather3A_215 = tpu.vector_load_idx %arg8[%add3A_206] : memref<2048xf32, #tpu.memory_space<vmem>>[vector<16xi32>], vector<16xf32>,
      %select_n3A_216 = arith.select %lt3A_208, %gather3A_215, %broadcast_in_dim3A_121 : vector<16xi1>, vector<16xf32>
      %add3A_217 = arith.addf %add3A_197, %select_n3A_216 : vector<16xf32>
      %gather3A_218 = tpu.vector_load_idx %arg9[%add3A_206] : memref<2048xf32, #tpu.memory_space<vmem>>[vector<16xi32>], vector<16xf32>,
      %select_n3A_219 = arith.select %lt3A_208, %gather3A_218, %broadcast_in_dim3A_121 : vector<16xi1>, vector<16xf32>
      %add3A_220 = arith.addf %add3A_200, %select_n3A_219 : vector<16xf32>
      %add3A_221 = arith.constant 5 : i32
      %add3A_222 = vector.broadcast %add3A_221 : i32 to vector<16xi32>
      %add3A_223 = arith.addi %get3A_104, %add3A_222 : vector<16xi32>
      %add3A_224 = arith.constant 5 : i32
      %add3A_225 = vector.broadcast %add3A_224 : i32 to vector<16xi32>
      %add3A_226 = arith.addi %get3A_108, %add3A_225 : vector<16xi32>
      %lt3A_227 = arith.cmpi slt, %add3A_223, %get3A_106 : vector<16xi32>
      %lt3A_228 = arith.cmpi slt, %add3A_226, %get3A_110 : vector<16xi32>
      %gather3A_229 = tpu.vector_load_idx %arg6[%add3A_223] : memref<2048xf32, #tpu.memory_space<vmem>>[vector<16xi32>], vector<16xf32>,
      %select_n3A_230 = arith.select %lt3A_227, %gather3A_229, %broadcast_in_dim3A_121 : vector<16xi1>, vector<16xf32>
      %add3A_231 = arith.addf %add3A_211, %select_n3A_230 : vector<16xf32>
      %gather3A_232 = tpu.vector_load_idx %arg7[%add3A_223] : memref<2048xf32, #tpu.memory_space<vmem>>[vector<16xi32>], vector<16xf32>,
      %select_n3A_233 = arith.select %lt3A_227, %gather3A_232, %broadcast_in_dim3A_121 : vector<16xi1>, vector<16xf32>
      %add3A_234 = arith.addf %add3A_214, %select_n3A_233 : vector<16xf32>
      %gather3A_235 = tpu.vector_load_idx %arg8[%add3A_226] : memref<2048xf32, #tpu.memory_space<vmem>>[vector<16xi32>], vector<16xf32>,
      %select_n3A_236 = arith.select %lt3A_228, %gather3A_235, %broadcast_in_dim3A_121 : vector<16xi1>, vector<16xf32>
      %add3A_237 = arith.addf %add3A_217, %select_n3A_236 : vector<16xf32>
      %gather3A_238 = tpu.vector_load_idx %arg9[%add3A_226] : memref<2048xf32, #tpu.memory_space<vmem>>[vector<16xi32>], vector<16xf32>,
      %select_n3A_239 = arith.select %lt3A_228, %gather3A_238, %broadcast_in_dim3A_121 : vector<16xi1>, vector<16xf32>
      %add3A_240 = arith.addf %add3A_220, %select_n3A_239 : vector<16xf32>
      %add3A_241 = arith.constant 6 : i32
      %add3A_242 = vector.broadcast %add3A_241 : i32 to vector<16xi32>
      %add3A_243 = arith.addi %get3A_104, %add3A_242 : vector<16xi32>
      %add3A_244 = arith.constant 6 : i32
      %add3A_245 = vector.broadcast %add3A_244 : i32 to vector<16xi32>
      %add3A_246 = arith.addi %get3A_108, %add3A_245 : vector<16xi32>
      %lt3A_247 = arith.cmpi slt, %add3A_243, %get3A_106 : vector<16xi32>
      %lt3A_248 = arith.cmpi slt, %add3A_246, %get3A_110 : vector<16xi32>
      %gather3A_249 = tpu.vector_load_idx %arg6[%add3A_243] : memref<2048xf32, #tpu.memory_space<vmem>>[vector<16xi32>], vector<16xf32>,
      %select_n3A_250 = arith.select %lt3A_247, %gather3A_249, %broadcast_in_dim3A_121 : vector<16xi1>, vector<16xf32>
      %add3A_251 = arith.addf %add3A_231, %select_n3A_250 : vector<16xf32>
      %gather3A_252 = tpu.vector_load_idx %arg7[%add3A_243] : memref<2048xf32, #tpu.memory_space<vmem>>[vector<16xi32>], vector<16xf32>,
      %select_n3A_253 = arith.select %lt3A_247, %gather3A_252, %broadcast_in_dim3A_121 : vector<16xi1>, vector<16xf32>
      %add3A_254 = arith.addf %add3A_234, %select_n3A_253 : vector<16xf32>
      %gather3A_255 = tpu.vector_load_idx %arg8[%add3A_246] : memref<2048xf32, #tpu.memory_space<vmem>>[vector<16xi32>], vector<16xf32>,
      %select_n3A_256 = arith.select %lt3A_248, %gather3A_255, %broadcast_in_dim3A_121 : vector<16xi1>, vector<16xf32>
      %add3A_257 = arith.addf %add3A_237, %select_n3A_256 : vector<16xf32>
      %gather3A_258 = tpu.vector_load_idx %arg9[%add3A_246] : memref<2048xf32, #tpu.memory_space<vmem>>[vector<16xi32>], vector<16xf32>,
      %select_n3A_259 = arith.select %lt3A_248, %gather3A_258, %broadcast_in_dim3A_121 : vector<16xi1>, vector<16xf32>
      %add3A_260 = arith.addf %add3A_240, %select_n3A_259 : vector<16xf32>
      %add3A_261 = arith.constant 7 : i32
      %add3A_262 = vector.broadcast %add3A_261 : i32 to vector<16xi32>
      %add3A_263 = arith.addi %get3A_104, %add3A_262 : vector<16xi32>
      %add3A_264 = arith.constant 7 : i32
      %add3A_265 = vector.broadcast %add3A_264 : i32 to vector<16xi32>
      %add3A_266 = arith.addi %get3A_108, %add3A_265 : vector<16xi32>
      %lt3A_267 = arith.cmpi slt, %add3A_263, %get3A_106 : vector<16xi32>
      %lt3A_268 = arith.cmpi slt, %add3A_266, %get3A_110 : vector<16xi32>
      %gather3A_269 = tpu.vector_load_idx %arg6[%add3A_263] : memref<2048xf32, #tpu.memory_space<vmem>>[vector<16xi32>], vector<16xf32>,
      %select_n3A_270 = arith.select %lt3A_267, %gather3A_269, %broadcast_in_dim3A_121 : vector<16xi1>, vector<16xf32>
      %add3A_271 = arith.addf %add3A_251, %select_n3A_270 : vector<16xf32>
      %gather3A_272 = tpu.vector_load_idx %arg7[%add3A_263] : memref<2048xf32, #tpu.memory_space<vmem>>[vector<16xi32>], vector<16xf32>,
      %select_n3A_273 = arith.select %lt3A_267, %gather3A_272, %broadcast_in_dim3A_121 : vector<16xi1>, vector<16xf32>
      %add3A_274 = arith.addf %add3A_254, %select_n3A_273 : vector<16xf32>
      %gather3A_275 = tpu.vector_load_idx %arg8[%add3A_266] : memref<2048xf32, #tpu.memory_space<vmem>>[vector<16xi32>], vector<16xf32>,
      %select_n3A_276 = arith.select %lt3A_268, %gather3A_275, %broadcast_in_dim3A_121 : vector<16xi1>, vector<16xf32>
      %add3A_277 = arith.addf %add3A_257, %select_n3A_276 : vector<16xf32>
      %gather3A_278 = tpu.vector_load_idx %arg9[%add3A_266] : memref<2048xf32, #tpu.memory_space<vmem>>[vector<16xi32>], vector<16xf32>,
      %select_n3A_279 = arith.select %lt3A_268, %gather3A_278, %broadcast_in_dim3A_121 : vector<16xi1>, vector<16xf32>
      %add3A_280 = arith.addf %add3A_260, %select_n3A_279 : vector<16xf32>
      %add3A_281 = arith.constant 8 : i32
      %add3A_282 = vector.broadcast %add3A_281 : i32 to vector<16xi32>
      %add3A_283 = arith.addi %get3A_104, %add3A_282 : vector<16xi32>
      %add3A_284 = arith.constant 8 : i32
      %add3A_285 = vector.broadcast %add3A_284 : i32 to vector<16xi32>
      %add3A_286 = arith.addi %get3A_108, %add3A_285 : vector<16xi32>
      %lt3A_287 = arith.cmpi slt, %add3A_283, %get3A_106 : vector<16xi32>
      %lt3A_288 = arith.cmpi slt, %add3A_286, %get3A_110 : vector<16xi32>
      %gather3A_289 = tpu.vector_load_idx %arg6[%add3A_283] : memref<2048xf32, #tpu.memory_space<vmem>>[vector<16xi32>], vector<16xf32>,
      %select_n3A_290 = arith.select %lt3A_287, %gather3A_289, %broadcast_in_dim3A_121 : vector<16xi1>, vector<16xf32>
      %add3A_291 = arith.addf %add3A_271, %select_n3A_290 : vector<16xf32>
      %gather3A_292 = tpu.vector_load_idx %arg7[%add3A_283] : memref<2048xf32, #tpu.memory_space<vmem>>[vector<16xi32>], vector<16xf32>,
      %select_n3A_293 = arith.select %lt3A_287, %gather3A_292, %broadcast_in_dim3A_121 : vector<16xi1>, vector<16xf32>
      %add3A_294 = arith.addf %add3A_274, %select_n3A_293 : vector<16xf32>
      %gather3A_295 = tpu.vector_load_idx %arg8[%add3A_286] : memref<2048xf32, #tpu.memory_space<vmem>>[vector<16xi32>], vector<16xf32>,
      %select_n3A_296 = arith.select %lt3A_288, %gather3A_295, %broadcast_in_dim3A_121 : vector<16xi1>, vector<16xf32>
      %add3A_297 = arith.addf %add3A_277, %select_n3A_296 : vector<16xf32>
      %gather3A_298 = tpu.vector_load_idx %arg9[%add3A_286] : memref<2048xf32, #tpu.memory_space<vmem>>[vector<16xi32>], vector<16xf32>,
      %select_n3A_299 = arith.select %lt3A_288, %gather3A_298, %broadcast_in_dim3A_121 : vector<16xi1>, vector<16xf32>
      %add3A_300 = arith.addf %add3A_280, %select_n3A_299 : vector<16xf32>
      %add3A_301 = arith.constant 9 : i32
      %add3A_302 = vector.broadcast %add3A_301 : i32 to vector<16xi32>
      %add3A_303 = arith.addi %get3A_104, %add3A_302 : vector<16xi32>
      %add3A_304 = arith.constant 9 : i32
      %add3A_305 = vector.broadcast %add3A_304 : i32 to vector<16xi32>
      %add3A_306 = arith.addi %get3A_108, %add3A_305 : vector<16xi32>
      %lt3A_307 = arith.cmpi slt, %add3A_303, %get3A_106 : vector<16xi32>
      %lt3A_308 = arith.cmpi slt, %add3A_306, %get3A_110 : vector<16xi32>
      %gather3A_309 = tpu.vector_load_idx %arg6[%add3A_303] : memref<2048xf32, #tpu.memory_space<vmem>>[vector<16xi32>], vector<16xf32>,
      %select_n3A_310 = arith.select %lt3A_307, %gather3A_309, %broadcast_in_dim3A_121 : vector<16xi1>, vector<16xf32>
      %add3A_311 = arith.addf %add3A_291, %select_n3A_310 : vector<16xf32>
      %gather3A_312 = tpu.vector_load_idx %arg7[%add3A_303] : memref<2048xf32, #tpu.memory_space<vmem>>[vector<16xi32>], vector<16xf32>,
      %select_n3A_313 = arith.select %lt3A_307, %gather3A_312, %broadcast_in_dim3A_121 : vector<16xi1>, vector<16xf32>
      %add3A_314 = arith.addf %add3A_294, %select_n3A_313 : vector<16xf32>
      %gather3A_315 = tpu.vector_load_idx %arg8[%add3A_306] : memref<2048xf32, #tpu.memory_space<vmem>>[vector<16xi32>], vector<16xf32>,
      %select_n3A_316 = arith.select %lt3A_308, %gather3A_315, %broadcast_in_dim3A_121 : vector<16xi1>, vector<16xf32>
      %add3A_317 = arith.addf %add3A_297, %select_n3A_316 : vector<16xf32>
      %gather3A_318 = tpu.vector_load_idx %arg9[%add3A_306] : memref<2048xf32, #tpu.memory_space<vmem>>[vector<16xi32>], vector<16xf32>,
      %select_n3A_319 = arith.select %lt3A_308, %gather3A_318, %broadcast_in_dim3A_121 : vector<16xi1>, vector<16xf32>
      %add3A_320 = arith.addf %add3A_300, %select_n3A_319 : vector<16xf32>
      %add3A_321 = arith.constant 10 : i32
      %add3A_322 = vector.broadcast %add3A_321 : i32 to vector<16xi32>
      %add3A_323 = arith.addi %get3A_104, %add3A_322 : vector<16xi32>
      %add3A_324 = arith.constant 10 : i32
      %add3A_325 = vector.broadcast %add3A_324 : i32 to vector<16xi32>
      %add3A_326 = arith.addi %get3A_108, %add3A_325 : vector<16xi32>
      %lt3A_327 = arith.cmpi slt, %add3A_323, %get3A_106 : vector<16xi32>
      %lt3A_328 = arith.cmpi slt, %add3A_326, %get3A_110 : vector<16xi32>
      %gather3A_329 = tpu.vector_load_idx %arg6[%add3A_323] : memref<2048xf32, #tpu.memory_space<vmem>>[vector<16xi32>], vector<16xf32>,
      %select_n3A_330 = arith.select %lt3A_327, %gather3A_329, %broadcast_in_dim3A_121 : vector<16xi1>, vector<16xf32>
      %add3A_331 = arith.addf %add3A_311, %select_n3A_330 : vector<16xf32>
      %gather3A_332 = tpu.vector_load_idx %arg7[%add3A_323] : memref<2048xf32, #tpu.memory_space<vmem>>[vector<16xi32>], vector<16xf32>,
      %select_n3A_333 = arith.select %lt3A_327, %gather3A_332, %broadcast_in_dim3A_121 : vector<16xi1>, vector<16xf32>
      %add3A_334 = arith.addf %add3A_314, %select_n3A_333 : vector<16xf32>
      %gather3A_335 = tpu.vector_load_idx %arg8[%add3A_326] : memref<2048xf32, #tpu.memory_space<vmem>>[vector<16xi32>], vector<16xf32>,
      %select_n3A_336 = arith.select %lt3A_328, %gather3A_335, %broadcast_in_dim3A_121 : vector<16xi1>, vector<16xf32>
      %add3A_337 = arith.addf %add3A_317, %select_n3A_336 : vector<16xf32>
      %gather3A_338 = tpu.vector_load_idx %arg9[%add3A_326] : memref<2048xf32, #tpu.memory_space<vmem>>[vector<16xi32>], vector<16xf32>,
      %select_n3A_339 = arith.select %lt3A_328, %gather3A_338, %broadcast_in_dim3A_121 : vector<16xi1>, vector<16xf32>
      %add3A_340 = arith.addf %add3A_320, %select_n3A_339 : vector<16xf32>
      %add3A_341 = arith.constant 11 : i32
      %add3A_342 = vector.broadcast %add3A_341 : i32 to vector<16xi32>
      %add3A_343 = arith.addi %get3A_104, %add3A_342 : vector<16xi32>
      %add3A_344 = arith.constant 11 : i32
      %add3A_345 = vector.broadcast %add3A_344 : i32 to vector<16xi32>
      %add3A_346 = arith.addi %get3A_108, %add3A_345 : vector<16xi32>
      %lt3A_347 = arith.cmpi slt, %add3A_343, %get3A_106 : vector<16xi32>
      %lt3A_348 = arith.cmpi slt, %add3A_346, %get3A_110 : vector<16xi32>
      %gather3A_349 = tpu.vector_load_idx %arg6[%add3A_343] : memref<2048xf32, #tpu.memory_space<vmem>>[vector<16xi32>], vector<16xf32>,
      %select_n3A_350 = arith.select %lt3A_347, %gather3A_349, %broadcast_in_dim3A_121 : vector<16xi1>, vector<16xf32>
      %add3A_351 = arith.addf %add3A_331, %select_n3A_350 : vector<16xf32>
      %gather3A_352 = tpu.vector_load_idx %arg7[%add3A_343] : memref<2048xf32, #tpu.memory_space<vmem>>[vector<16xi32>], vector<16xf32>,
      %select_n3A_353 = arith.select %lt3A_347, %gather3A_352, %broadcast_in_dim3A_121 : vector<16xi1>, vector<16xf32>
      %add3A_354 = arith.addf %add3A_334, %select_n3A_353 : vector<16xf32>
      %gather3A_355 = tpu.vector_load_idx %arg8[%add3A_346] : memref<2048xf32, #tpu.memory_space<vmem>>[vector<16xi32>], vector<16xf32>,
      %select_n3A_356 = arith.select %lt3A_348, %gather3A_355, %broadcast_in_dim3A_121 : vector<16xi1>, vector<16xf32>
      %add3A_357 = arith.addf %add3A_337, %select_n3A_356 : vector<16xf32>
      %gather3A_358 = tpu.vector_load_idx %arg9[%add3A_346] : memref<2048xf32, #tpu.memory_space<vmem>>[vector<16xi32>], vector<16xf32>,
      %select_n3A_359 = arith.select %lt3A_348, %gather3A_358, %broadcast_in_dim3A_121 : vector<16xi1>, vector<16xf32>
      %add3A_360 = arith.addf %add3A_340, %select_n3A_359 : vector<16xf32>
      %add3A_361 = arith.constant 12 : i32
      %add3A_362 = vector.broadcast %add3A_361 : i32 to vector<16xi32>
      %add3A_363 = arith.addi %get3A_104, %add3A_362 : vector<16xi32>
      %add3A_364 = arith.constant 12 : i32
      %add3A_365 = vector.broadcast %add3A_364 : i32 to vector<16xi32>
      %add3A_366 = arith.addi %get3A_108, %add3A_365 : vector<16xi32>
      %lt3A_367 = arith.cmpi slt, %add3A_363, %get3A_106 : vector<16xi32>
      %lt3A_368 = arith.cmpi slt, %add3A_366, %get3A_110 : vector<16xi32>
      %gather3A_369 = tpu.vector_load_idx %arg6[%add3A_363] : memref<2048xf32, #tpu.memory_space<vmem>>[vector<16xi32>], vector<16xf32>,
      %select_n3A_370 = arith.select %lt3A_367, %gather3A_369, %broadcast_in_dim3A_121 : vector<16xi1>, vector<16xf32>
      %add3A_371 = arith.addf %add3A_351, %select_n3A_370 : vector<16xf32>
      %gather3A_372 = tpu.vector_load_idx %arg7[%add3A_363] : memref<2048xf32, #tpu.memory_space<vmem>>[vector<16xi32>], vector<16xf32>,
      %select_n3A_373 = arith.select %lt3A_367, %gather3A_372, %broadcast_in_dim3A_121 : vector<16xi1>, vector<16xf32>
      %add3A_374 = arith.addf %add3A_354, %select_n3A_373 : vector<16xf32>
      %gather3A_375 = tpu.vector_load_idx %arg8[%add3A_366] : memref<2048xf32, #tpu.memory_space<vmem>>[vector<16xi32>], vector<16xf32>,
      %select_n3A_376 = arith.select %lt3A_368, %gather3A_375, %broadcast_in_dim3A_121 : vector<16xi1>, vector<16xf32>
      %add3A_377 = arith.addf %add3A_357, %select_n3A_376 : vector<16xf32>
      %gather3A_378 = tpu.vector_load_idx %arg9[%add3A_366] : memref<2048xf32, #tpu.memory_space<vmem>>[vector<16xi32>], vector<16xf32>,
      %select_n3A_379 = arith.select %lt3A_368, %gather3A_378, %broadcast_in_dim3A_121 : vector<16xi1>, vector<16xf32>
      %add3A_380 = arith.addf %add3A_360, %select_n3A_379 : vector<16xf32>
      %add3A_381 = arith.constant 13 : i32
      %add3A_382 = vector.broadcast %add3A_381 : i32 to vector<16xi32>
      %add3A_383 = arith.addi %get3A_104, %add3A_382 : vector<16xi32>
      %add3A_384 = arith.constant 13 : i32
      %add3A_385 = vector.broadcast %add3A_384 : i32 to vector<16xi32>
      %add3A_386 = arith.addi %get3A_108, %add3A_385 : vector<16xi32>
      %lt3A_387 = arith.cmpi slt, %add3A_383, %get3A_106 : vector<16xi32>
      %lt3A_388 = arith.cmpi slt, %add3A_386, %get3A_110 : vector<16xi32>
      %gather3A_389 = tpu.vector_load_idx %arg6[%add3A_383] : memref<2048xf32, #tpu.memory_space<vmem>>[vector<16xi32>], vector<16xf32>,
      %select_n3A_390 = arith.select %lt3A_387, %gather3A_389, %broadcast_in_dim3A_121 : vector<16xi1>, vector<16xf32>
      %add3A_391 = arith.addf %add3A_371, %select_n3A_390 : vector<16xf32>
      %gather3A_392 = tpu.vector_load_idx %arg7[%add3A_383] : memref<2048xf32, #tpu.memory_space<vmem>>[vector<16xi32>], vector<16xf32>,
      %select_n3A_393 = arith.select %lt3A_387, %gather3A_392, %broadcast_in_dim3A_121 : vector<16xi1>, vector<16xf32>
      %add3A_394 = arith.addf %add3A_374, %select_n3A_393 : vector<16xf32>
      %gather3A_395 = tpu.vector_load_idx %arg8[%add3A_386] : memref<2048xf32, #tpu.memory_space<vmem>>[vector<16xi32>], vector<16xf32>,
      %select_n3A_396 = arith.select %lt3A_388, %gather3A_395, %broadcast_in_dim3A_121 : vector<16xi1>, vector<16xf32>
      %add3A_397 = arith.addf %add3A_377, %select_n3A_396 : vector<16xf32>
      %gather3A_398 = tpu.vector_load_idx %arg9[%add3A_386] : memref<2048xf32, #tpu.memory_space<vmem>>[vector<16xi32>], vector<16xf32>,
      %select_n3A_399 = arith.select %lt3A_388, %gather3A_398, %broadcast_in_dim3A_121 : vector<16xi1>, vector<16xf32>
      %add3A_400 = arith.addf %add3A_380, %select_n3A_399 : vector<16xf32>
      %add3A_401 = arith.constant 14 : i32
      %add3A_402 = vector.broadcast %add3A_401 : i32 to vector<16xi32>
      %add3A_403 = arith.addi %get3A_104, %add3A_402 : vector<16xi32>
      %add3A_404 = arith.constant 14 : i32
      %add3A_405 = vector.broadcast %add3A_404 : i32 to vector<16xi32>
      %add3A_406 = arith.addi %get3A_108, %add3A_405 : vector<16xi32>
      %lt3A_407 = arith.cmpi slt, %add3A_403, %get3A_106 : vector<16xi32>
      %lt3A_408 = arith.cmpi slt, %add3A_406, %get3A_110 : vector<16xi32>
      %gather3A_409 = tpu.vector_load_idx %arg6[%add3A_403] : memref<2048xf32, #tpu.memory_space<vmem>>[vector<16xi32>], vector<16xf32>,
      %select_n3A_410 = arith.select %lt3A_407, %gather3A_409, %broadcast_in_dim3A_121 : vector<16xi1>, vector<16xf32>
      %add3A_411 = arith.addf %add3A_391, %select_n3A_410 : vector<16xf32>
      %gather3A_412 = tpu.vector_load_idx %arg7[%add3A_403] : memref<2048xf32, #tpu.memory_space<vmem>>[vector<16xi32>], vector<16xf32>,
      %select_n3A_413 = arith.select %lt3A_407, %gather3A_412, %broadcast_in_dim3A_121 : vector<16xi1>, vector<16xf32>
      %add3A_414 = arith.addf %add3A_394, %select_n3A_413 : vector<16xf32>
      %gather3A_415 = tpu.vector_load_idx %arg8[%add3A_406] : memref<2048xf32, #tpu.memory_space<vmem>>[vector<16xi32>], vector<16xf32>,
      %select_n3A_416 = arith.select %lt3A_408, %gather3A_415, %broadcast_in_dim3A_121 : vector<16xi1>, vector<16xf32>
      %add3A_417 = arith.addf %add3A_397, %select_n3A_416 : vector<16xf32>
      %gather3A_418 = tpu.vector_load_idx %arg9[%add3A_406] : memref<2048xf32, #tpu.memory_space<vmem>>[vector<16xi32>], vector<16xf32>,
      %select_n3A_419 = arith.select %lt3A_408, %gather3A_418, %broadcast_in_dim3A_121 : vector<16xi1>, vector<16xf32>
      %add3A_420 = arith.addf %add3A_400, %select_n3A_419 : vector<16xf32>
      %add3A_421 = arith.constant 15 : i32
      %add3A_422 = vector.broadcast %add3A_421 : i32 to vector<16xi32>
      %add3A_423 = arith.addi %get3A_104, %add3A_422 : vector<16xi32>
      %add3A_424 = arith.constant 15 : i32
      %add3A_425 = vector.broadcast %add3A_424 : i32 to vector<16xi32>
      %add3A_426 = arith.addi %get3A_108, %add3A_425 : vector<16xi32>
      %lt3A_427 = arith.cmpi slt, %add3A_423, %get3A_106 : vector<16xi32>
      %lt3A_428 = arith.cmpi slt, %add3A_426, %get3A_110 : vector<16xi32>
      %gather3A_429 = tpu.vector_load_idx %arg6[%add3A_423] : memref<2048xf32, #tpu.memory_space<vmem>>[vector<16xi32>], vector<16xf32>,
      %select_n3A_430 = arith.select %lt3A_427, %gather3A_429, %broadcast_in_dim3A_121 : vector<16xi1>, vector<16xf32>
      %add3A_431 = arith.addf %add3A_411, %select_n3A_430 : vector<16xf32>
      %gather3A_432 = tpu.vector_load_idx %arg7[%add3A_423] : memref<2048xf32, #tpu.memory_space<vmem>>[vector<16xi32>], vector<16xf32>,
      %select_n3A_433 = arith.select %lt3A_427, %gather3A_432, %broadcast_in_dim3A_121 : vector<16xi1>, vector<16xf32>
      %add3A_434 = arith.addf %add3A_414, %select_n3A_433 : vector<16xf32>
      %gather3A_435 = tpu.vector_load_idx %arg8[%add3A_426] : memref<2048xf32, #tpu.memory_space<vmem>>[vector<16xi32>], vector<16xf32>,
      %select_n3A_436 = arith.select %lt3A_428, %gather3A_435, %broadcast_in_dim3A_121 : vector<16xi1>, vector<16xf32>
      %add3A_437 = arith.addf %add3A_417, %select_n3A_436 : vector<16xf32>
      %gather3A_438 = tpu.vector_load_idx %arg9[%add3A_426] : memref<2048xf32, #tpu.memory_space<vmem>>[vector<16xi32>], vector<16xf32>,
      %select_n3A_439 = arith.select %lt3A_428, %gather3A_438, %broadcast_in_dim3A_121 : vector<16xi1>, vector<16xf32>
      %add3A_440 = arith.addf %add3A_420, %select_n3A_439 : vector<16xf32>
      %add3A_441 = arith.constant 16 : i32
      %add3A_442 = vector.broadcast %add3A_441 : i32 to vector<16xi32>
      %add3A_443 = arith.addi %get3A_104, %add3A_442 : vector<16xi32>
      %add3A_444 = arith.constant 16 : i32
      %add3A_445 = vector.broadcast %add3A_444 : i32 to vector<16xi32>
      %add3A_446 = arith.addi %get3A_108, %add3A_445 : vector<16xi32>
      %lt3A_447 = arith.cmpi slt, %add3A_443, %get3A_106 : vector<16xi32>
      %lt3A_448 = arith.cmpi slt, %add3A_446, %get3A_110 : vector<16xi32>
      %gather3A_449 = tpu.vector_load_idx %arg6[%add3A_443] : memref<2048xf32, #tpu.memory_space<vmem>>[vector<16xi32>], vector<16xf32>,
      %select_n3A_450 = arith.select %lt3A_447, %gather3A_449, %broadcast_in_dim3A_121 : vector<16xi1>, vector<16xf32>
      %add3A_451 = arith.addf %add3A_431, %select_n3A_450 : vector<16xf32>
      %gather3A_452 = tpu.vector_load_idx %arg7[%add3A_443] : memref<2048xf32, #tpu.memory_space<vmem>>[vector<16xi32>], vector<16xf32>,
      %select_n3A_453 = arith.select %lt3A_447, %gather3A_452, %broadcast_in_dim3A_121 : vector<16xi1>, vector<16xf32>
      %add3A_454 = arith.addf %add3A_434, %select_n3A_453 : vector<16xf32>
      %gather3A_455 = tpu.vector_load_idx %arg8[%add3A_446] : memref<2048xf32, #tpu.memory_space<vmem>>[vector<16xi32>], vector<16xf32>,
      %select_n3A_456 = arith.select %lt3A_448, %gather3A_455, %broadcast_in_dim3A_121 : vector<16xi1>, vector<16xf32>
      %add3A_457 = arith.addf %add3A_437, %select_n3A_456 : vector<16xf32>
      %gather3A_458 = tpu.vector_load_idx %arg9[%add3A_446] : memref<2048xf32, #tpu.memory_space<vmem>>[vector<16xi32>], vector<16xf32>,
      %select_n3A_459 = arith.select %lt3A_448, %gather3A_458, %broadcast_in_dim3A_121 : vector<16xi1>, vector<16xf32>
      %add3A_460 = arith.addf %add3A_440, %select_n3A_459 : vector<16xf32>
      %add3A_461 = arith.constant 17 : i32
      %add3A_462 = vector.broadcast %add3A_461 : i32 to vector<16xi32>
      %add3A_463 = arith.addi %get3A_104, %add3A_462 : vector<16xi32>
      %add3A_464 = arith.constant 17 : i32
      %add3A_465 = vector.broadcast %add3A_464 : i32 to vector<16xi32>
      %add3A_466 = arith.addi %get3A_108, %add3A_465 : vector<16xi32>
      %lt3A_467 = arith.cmpi slt, %add3A_463, %get3A_106 : vector<16xi32>
      %lt3A_468 = arith.cmpi slt, %add3A_466, %get3A_110 : vector<16xi32>
      %gather3A_469 = tpu.vector_load_idx %arg6[%add3A_463] : memref<2048xf32, #tpu.memory_space<vmem>>[vector<16xi32>], vector<16xf32>,
      %select_n3A_470 = arith.select %lt3A_467, %gather3A_469, %broadcast_in_dim3A_121 : vector<16xi1>, vector<16xf32>
      %add3A_471 = arith.addf %add3A_451, %select_n3A_470 : vector<16xf32>
      %gather3A_472 = tpu.vector_load_idx %arg7[%add3A_463] : memref<2048xf32, #tpu.memory_space<vmem>>[vector<16xi32>], vector<16xf32>,
      %select_n3A_473 = arith.select %lt3A_467, %gather3A_472, %broadcast_in_dim3A_121 : vector<16xi1>, vector<16xf32>
      %add3A_474 = arith.addf %add3A_454, %select_n3A_473 : vector<16xf32>
      %gather3A_475 = tpu.vector_load_idx %arg8[%add3A_466] : memref<2048xf32, #tpu.memory_space<vmem>>[vector<16xi32>], vector<16xf32>,
      %select_n3A_476 = arith.select %lt3A_468, %gather3A_475, %broadcast_in_dim3A_121 : vector<16xi1>, vector<16xf32>
      %add3A_477 = arith.addf %add3A_457, %select_n3A_476 : vector<16xf32>
      %gather3A_478 = tpu.vector_load_idx %arg9[%add3A_466] : memref<2048xf32, #tpu.memory_space<vmem>>[vector<16xi32>], vector<16xf32>,
      %select_n3A_479 = arith.select %lt3A_468, %gather3A_478, %broadcast_in_dim3A_121 : vector<16xi1>, vector<16xf32>
      %add3A_480 = arith.addf %add3A_460, %select_n3A_479 : vector<16xf32>
      %add3A_481 = arith.constant 18 : i32
      %add3A_482 = vector.broadcast %add3A_481 : i32 to vector<16xi32>
      %add3A_483 = arith.addi %get3A_104, %add3A_482 : vector<16xi32>
      %add3A_484 = arith.constant 18 : i32
      %add3A_485 = vector.broadcast %add3A_484 : i32 to vector<16xi32>
      %add3A_486 = arith.addi %get3A_108, %add3A_485 : vector<16xi32>
      %lt3A_487 = arith.cmpi slt, %add3A_483, %get3A_106 : vector<16xi32>
      %lt3A_488 = arith.cmpi slt, %add3A_486, %get3A_110 : vector<16xi32>
      %gather3A_489 = tpu.vector_load_idx %arg6[%add3A_483] : memref<2048xf32, #tpu.memory_space<vmem>>[vector<16xi32>], vector<16xf32>,
      %select_n3A_490 = arith.select %lt3A_487, %gather3A_489, %broadcast_in_dim3A_121 : vector<16xi1>, vector<16xf32>
      %add3A_491 = arith.addf %add3A_471, %select_n3A_490 : vector<16xf32>
      %gather3A_492 = tpu.vector_load_idx %arg7[%add3A_483] : memref<2048xf32, #tpu.memory_space<vmem>>[vector<16xi32>], vector<16xf32>,
      %select_n3A_493 = arith.select %lt3A_487, %gather3A_492, %broadcast_in_dim3A_121 : vector<16xi1>, vector<16xf32>
      %add3A_494 = arith.addf %add3A_474, %select_n3A_493 : vector<16xf32>
      %gather3A_495 = tpu.vector_load_idx %arg8[%add3A_486] : memref<2048xf32, #tpu.memory_space<vmem>>[vector<16xi32>], vector<16xf32>,
      %select_n3A_496 = arith.select %lt3A_488, %gather3A_495, %broadcast_in_dim3A_121 : vector<16xi1>, vector<16xf32>
      %add3A_497 = arith.addf %add3A_477, %select_n3A_496 : vector<16xf32>
      %gather3A_498 = tpu.vector_load_idx %arg9[%add3A_486] : memref<2048xf32, #tpu.memory_space<vmem>>[vector<16xi32>], vector<16xf32>,
      %select_n3A_499 = arith.select %lt3A_488, %gather3A_498, %broadcast_in_dim3A_121 : vector<16xi1>, vector<16xf32>
      %add3A_500 = arith.addf %add3A_480, %select_n3A_499 : vector<16xf32>
      %add3A_501 = arith.constant 19 : i32
      %add3A_502 = vector.broadcast %add3A_501 : i32 to vector<16xi32>
      %add3A_503 = arith.addi %get3A_104, %add3A_502 : vector<16xi32>
      %add3A_504 = arith.constant 19 : i32
      %add3A_505 = vector.broadcast %add3A_504 : i32 to vector<16xi32>
      %add3A_506 = arith.addi %get3A_108, %add3A_505 : vector<16xi32>
      %lt3A_507 = arith.cmpi slt, %add3A_503, %get3A_106 : vector<16xi32>
      %lt3A_508 = arith.cmpi slt, %add3A_506, %get3A_110 : vector<16xi32>
      %gather3A_509 = tpu.vector_load_idx %arg6[%add3A_503] : memref<2048xf32, #tpu.memory_space<vmem>>[vector<16xi32>], vector<16xf32>,
      %select_n3A_510 = arith.select %lt3A_507, %gather3A_509, %broadcast_in_dim3A_121 : vector<16xi1>, vector<16xf32>
      %add3A_511 = arith.addf %add3A_491, %select_n3A_510 : vector<16xf32>
      %gather3A_512 = tpu.vector_load_idx %arg7[%add3A_503] : memref<2048xf32, #tpu.memory_space<vmem>>[vector<16xi32>], vector<16xf32>,
      %select_n3A_513 = arith.select %lt3A_507, %gather3A_512, %broadcast_in_dim3A_121 : vector<16xi1>, vector<16xf32>
      %add3A_514 = arith.addf %add3A_494, %select_n3A_513 : vector<16xf32>
      %gather3A_515 = tpu.vector_load_idx %arg8[%add3A_506] : memref<2048xf32, #tpu.memory_space<vmem>>[vector<16xi32>], vector<16xf32>,
      %select_n3A_516 = arith.select %lt3A_508, %gather3A_515, %broadcast_in_dim3A_121 : vector<16xi1>, vector<16xf32>
      %add3A_517 = arith.addf %add3A_497, %select_n3A_516 : vector<16xf32>
      %gather3A_518 = tpu.vector_load_idx %arg9[%add3A_506] : memref<2048xf32, #tpu.memory_space<vmem>>[vector<16xi32>], vector<16xf32>,
      %select_n3A_519 = arith.select %lt3A_508, %gather3A_518, %broadcast_in_dim3A_121 : vector<16xi1>, vector<16xf32>
      %add3A_520 = arith.addf %add3A_500, %select_n3A_519 : vector<16xf32>
      %add3A_521 = arith.constant 20 : i32
      %add3A_522 = vector.broadcast %add3A_521 : i32 to vector<16xi32>
      %add3A_523 = arith.addi %get3A_104, %add3A_522 : vector<16xi32>
      %add3A_524 = arith.constant 20 : i32
      %add3A_525 = vector.broadcast %add3A_524 : i32 to vector<16xi32>
      %add3A_526 = arith.addi %get3A_108, %add3A_525 : vector<16xi32>
      %lt3A_527 = arith.cmpi slt, %add3A_523, %get3A_106 : vector<16xi32>
      %lt3A_528 = arith.cmpi slt, %add3A_526, %get3A_110 : vector<16xi32>
      %gather3A_529 = tpu.vector_load_idx %arg6[%add3A_523] : memref<2048xf32, #tpu.memory_space<vmem>>[vector<16xi32>], vector<16xf32>,
      %select_n3A_530 = arith.select %lt3A_527, %gather3A_529, %broadcast_in_dim3A_121 : vector<16xi1>, vector<16xf32>
      %add3A_531 = arith.addf %add3A_511, %select_n3A_530 : vector<16xf32>
      %gather3A_532 = tpu.vector_load_idx %arg7[%add3A_523] : memref<2048xf32, #tpu.memory_space<vmem>>[vector<16xi32>], vector<16xf32>,
      %select_n3A_533 = arith.select %lt3A_527, %gather3A_532, %broadcast_in_dim3A_121 : vector<16xi1>, vector<16xf32>
      %add3A_534 = arith.addf %add3A_514, %select_n3A_533 : vector<16xf32>
      %gather3A_535 = tpu.vector_load_idx %arg8[%add3A_526] : memref<2048xf32, #tpu.memory_space<vmem>>[vector<16xi32>], vector<16xf32>,
      %select_n3A_536 = arith.select %lt3A_528, %gather3A_535, %broadcast_in_dim3A_121 : vector<16xi1>, vector<16xf32>
      %add3A_537 = arith.addf %add3A_517, %select_n3A_536 : vector<16xf32>
      %gather3A_538 = tpu.vector_load_idx %arg9[%add3A_526] : memref<2048xf32, #tpu.memory_space<vmem>>[vector<16xi32>], vector<16xf32>,
      %select_n3A_539 = arith.select %lt3A_528, %gather3A_538, %broadcast_in_dim3A_121 : vector<16xi1>, vector<16xf32>
      %add3A_540 = arith.addf %add3A_520, %select_n3A_539 : vector<16xf32>
      %add3A_541 = arith.constant 21 : i32
      %add3A_542 = vector.broadcast %add3A_541 : i32 to vector<16xi32>
      %add3A_543 = arith.addi %get3A_104, %add3A_542 : vector<16xi32>
      %add3A_544 = arith.constant 21 : i32
      %add3A_545 = vector.broadcast %add3A_544 : i32 to vector<16xi32>
      %add3A_546 = arith.addi %get3A_108, %add3A_545 : vector<16xi32>
      %lt3A_547 = arith.cmpi slt, %add3A_543, %get3A_106 : vector<16xi32>
      %lt3A_548 = arith.cmpi slt, %add3A_546, %get3A_110 : vector<16xi32>
      %gather3A_549 = tpu.vector_load_idx %arg6[%add3A_543] : memref<2048xf32, #tpu.memory_space<vmem>>[vector<16xi32>], vector<16xf32>,
      %select_n3A_550 = arith.select %lt3A_547, %gather3A_549, %broadcast_in_dim3A_121 : vector<16xi1>, vector<16xf32>
      %add3A_551 = arith.addf %add3A_531, %select_n3A_550 : vector<16xf32>
      %gather3A_552 = tpu.vector_load_idx %arg7[%add3A_543] : memref<2048xf32, #tpu.memory_space<vmem>>[vector<16xi32>], vector<16xf32>,
      %select_n3A_553 = arith.select %lt3A_547, %gather3A_552, %broadcast_in_dim3A_121 : vector<16xi1>, vector<16xf32>
      %add3A_554 = arith.addf %add3A_534, %select_n3A_553 : vector<16xf32>
      %gather3A_555 = tpu.vector_load_idx %arg8[%add3A_546] : memref<2048xf32, #tpu.memory_space<vmem>>[vector<16xi32>], vector<16xf32>,
      %select_n3A_556 = arith.select %lt3A_548, %gather3A_555, %broadcast_in_dim3A_121 : vector<16xi1>, vector<16xf32>
      %add3A_557 = arith.addf %add3A_537, %select_n3A_556 : vector<16xf32>
      %gather3A_558 = tpu.vector_load_idx %arg9[%add3A_546] : memref<2048xf32, #tpu.memory_space<vmem>>[vector<16xi32>], vector<16xf32>,
      %select_n3A_559 = arith.select %lt3A_548, %gather3A_558, %broadcast_in_dim3A_121 : vector<16xi1>, vector<16xf32>
      %add3A_560 = arith.addf %add3A_540, %select_n3A_559 : vector<16xf32>
      %add3A_561 = arith.constant 22 : i32
      %add3A_562 = vector.broadcast %add3A_561 : i32 to vector<16xi32>
      %add3A_563 = arith.addi %get3A_104, %add3A_562 : vector<16xi32>
      %add3A_564 = arith.constant 22 : i32
      %add3A_565 = vector.broadcast %add3A_564 : i32 to vector<16xi32>
      %add3A_566 = arith.addi %get3A_108, %add3A_565 : vector<16xi32>
      %lt3A_567 = arith.cmpi slt, %add3A_563, %get3A_106 : vector<16xi32>
      %lt3A_568 = arith.cmpi slt, %add3A_566, %get3A_110 : vector<16xi32>
      %gather3A_569 = tpu.vector_load_idx %arg6[%add3A_563] : memref<2048xf32, #tpu.memory_space<vmem>>[vector<16xi32>], vector<16xf32>,
      %select_n3A_570 = arith.select %lt3A_567, %gather3A_569, %broadcast_in_dim3A_121 : vector<16xi1>, vector<16xf32>
      %add3A_571 = arith.addf %add3A_551, %select_n3A_570 : vector<16xf32>
      %gather3A_572 = tpu.vector_load_idx %arg7[%add3A_563] : memref<2048xf32, #tpu.memory_space<vmem>>[vector<16xi32>], vector<16xf32>,
      %select_n3A_573 = arith.select %lt3A_567, %gather3A_572, %broadcast_in_dim3A_121 : vector<16xi1>, vector<16xf32>
      %add3A_574 = arith.addf %add3A_554, %select_n3A_573 : vector<16xf32>
      %gather3A_575 = tpu.vector_load_idx %arg8[%add3A_566] : memref<2048xf32, #tpu.memory_space<vmem>>[vector<16xi32>], vector<16xf32>,
      %select_n3A_576 = arith.select %lt3A_568, %gather3A_575, %broadcast_in_dim3A_121 : vector<16xi1>, vector<16xf32>
      %add3A_577 = arith.addf %add3A_557, %select_n3A_576 : vector<16xf32>
      %gather3A_578 = tpu.vector_load_idx %arg9[%add3A_566] : memref<2048xf32, #tpu.memory_space<vmem>>[vector<16xi32>], vector<16xf32>,
      %select_n3A_579 = arith.select %lt3A_568, %gather3A_578, %broadcast_in_dim3A_121 : vector<16xi1>, vector<16xf32>
      %add3A_580 = arith.addf %add3A_560, %select_n3A_579 : vector<16xf32>
      %add3A_581 = arith.constant 23 : i32
      %add3A_582 = vector.broadcast %add3A_581 : i32 to vector<16xi32>
      %add3A_583 = arith.addi %get3A_104, %add3A_582 : vector<16xi32>
      %add3A_584 = arith.constant 23 : i32
      %add3A_585 = vector.broadcast %add3A_584 : i32 to vector<16xi32>
      %add3A_586 = arith.addi %get3A_108, %add3A_585 : vector<16xi32>
      %lt3A_587 = arith.cmpi slt, %add3A_583, %get3A_106 : vector<16xi32>
      %lt3A_588 = arith.cmpi slt, %add3A_586, %get3A_110 : vector<16xi32>
      %gather3A_589 = tpu.vector_load_idx %arg6[%add3A_583] : memref<2048xf32, #tpu.memory_space<vmem>>[vector<16xi32>], vector<16xf32>,
      %select_n3A_590 = arith.select %lt3A_587, %gather3A_589, %broadcast_in_dim3A_121 : vector<16xi1>, vector<16xf32>
      %add3A_591 = arith.addf %add3A_571, %select_n3A_590 : vector<16xf32>
      %gather3A_592 = tpu.vector_load_idx %arg7[%add3A_583] : memref<2048xf32, #tpu.memory_space<vmem>>[vector<16xi32>], vector<16xf32>,
      %select_n3A_593 = arith.select %lt3A_587, %gather3A_592, %broadcast_in_dim3A_121 : vector<16xi1>, vector<16xf32>
      %add3A_594 = arith.addf %add3A_574, %select_n3A_593 : vector<16xf32>
      %gather3A_595 = tpu.vector_load_idx %arg8[%add3A_586] : memref<2048xf32, #tpu.memory_space<vmem>>[vector<16xi32>], vector<16xf32>,
      %select_n3A_596 = arith.select %lt3A_588, %gather3A_595, %broadcast_in_dim3A_121 : vector<16xi1>, vector<16xf32>
      %add3A_597 = arith.addf %add3A_577, %select_n3A_596 : vector<16xf32>
      %gather3A_598 = tpu.vector_load_idx %arg9[%add3A_586] : memref<2048xf32, #tpu.memory_space<vmem>>[vector<16xi32>], vector<16xf32>,
      %select_n3A_599 = arith.select %lt3A_588, %gather3A_598, %broadcast_in_dim3A_121 : vector<16xi1>, vector<16xf32>
      %add3A_600 = arith.addf %add3A_580, %select_n3A_599 : vector<16xf32>
      %add3A_601 = arith.constant 24 : i32
      %add3A_602 = vector.broadcast %add3A_601 : i32 to vector<16xi32>
      %add3A_603 = arith.addi %get3A_104, %add3A_602 : vector<16xi32>
      %add3A_604 = arith.constant 24 : i32
      %add3A_605 = vector.broadcast %add3A_604 : i32 to vector<16xi32>
      %add3A_606 = arith.addi %get3A_108, %add3A_605 : vector<16xi32>
      %lt3A_607 = arith.cmpi slt, %add3A_603, %get3A_106 : vector<16xi32>
      %lt3A_608 = arith.cmpi slt, %add3A_606, %get3A_110 : vector<16xi32>
      %gather3A_609 = tpu.vector_load_idx %arg6[%add3A_603] : memref<2048xf32, #tpu.memory_space<vmem>>[vector<16xi32>], vector<16xf32>,
      %select_n3A_610 = arith.select %lt3A_607, %gather3A_609, %broadcast_in_dim3A_121 : vector<16xi1>, vector<16xf32>
      %add3A_611 = arith.addf %add3A_591, %select_n3A_610 : vector<16xf32>
      %gather3A_612 = tpu.vector_load_idx %arg7[%add3A_603] : memref<2048xf32, #tpu.memory_space<vmem>>[vector<16xi32>], vector<16xf32>,
      %select_n3A_613 = arith.select %lt3A_607, %gather3A_612, %broadcast_in_dim3A_121 : vector<16xi1>, vector<16xf32>
      %add3A_614 = arith.addf %add3A_594, %select_n3A_613 : vector<16xf32>
      %gather3A_615 = tpu.vector_load_idx %arg8[%add3A_606] : memref<2048xf32, #tpu.memory_space<vmem>>[vector<16xi32>], vector<16xf32>,
      %select_n3A_616 = arith.select %lt3A_608, %gather3A_615, %broadcast_in_dim3A_121 : vector<16xi1>, vector<16xf32>
      %add3A_617 = arith.addf %add3A_597, %select_n3A_616 : vector<16xf32>
      %gather3A_618 = tpu.vector_load_idx %arg9[%add3A_606] : memref<2048xf32, #tpu.memory_space<vmem>>[vector<16xi32>], vector<16xf32>,
      %select_n3A_619 = arith.select %lt3A_608, %gather3A_618, %broadcast_in_dim3A_121 : vector<16xi1>, vector<16xf32>
      %add3A_620 = arith.addf %add3A_600, %select_n3A_619 : vector<16xf32>
      %add3A_621 = arith.constant 25 : i32
      %add3A_622 = vector.broadcast %add3A_621 : i32 to vector<16xi32>
      %add3A_623 = arith.addi %get3A_104, %add3A_622 : vector<16xi32>
      %add3A_624 = arith.constant 25 : i32
      %add3A_625 = vector.broadcast %add3A_624 : i32 to vector<16xi32>
      %add3A_626 = arith.addi %get3A_108, %add3A_625 : vector<16xi32>
      %lt3A_627 = arith.cmpi slt, %add3A_623, %get3A_106 : vector<16xi32>
      %lt3A_628 = arith.cmpi slt, %add3A_626, %get3A_110 : vector<16xi32>
      %gather3A_629 = tpu.vector_load_idx %arg6[%add3A_623] : memref<2048xf32, #tpu.memory_space<vmem>>[vector<16xi32>], vector<16xf32>,
      %select_n3A_630 = arith.select %lt3A_627, %gather3A_629, %broadcast_in_dim3A_121 : vector<16xi1>, vector<16xf32>
      %add3A_631 = arith.addf %add3A_611, %select_n3A_630 : vector<16xf32>
      %gather3A_632 = tpu.vector_load_idx %arg7[%add3A_623] : memref<2048xf32, #tpu.memory_space<vmem>>[vector<16xi32>], vector<16xf32>,
      %select_n3A_633 = arith.select %lt3A_627, %gather3A_632, %broadcast_in_dim3A_121 : vector<16xi1>, vector<16xf32>
      %add3A_634 = arith.addf %add3A_614, %select_n3A_633 : vector<16xf32>
      %gather3A_635 = tpu.vector_load_idx %arg8[%add3A_626] : memref<2048xf32, #tpu.memory_space<vmem>>[vector<16xi32>], vector<16xf32>,
      %select_n3A_636 = arith.select %lt3A_628, %gather3A_635, %broadcast_in_dim3A_121 : vector<16xi1>, vector<16xf32>
      %add3A_637 = arith.addf %add3A_617, %select_n3A_636 : vector<16xf32>
      %gather3A_638 = tpu.vector_load_idx %arg9[%add3A_626] : memref<2048xf32, #tpu.memory_space<vmem>>[vector<16xi32>], vector<16xf32>,
      %select_n3A_639 = arith.select %lt3A_628, %gather3A_638, %broadcast_in_dim3A_121 : vector<16xi1>, vector<16xf32>
      %add3A_640 = arith.addf %add3A_620, %select_n3A_639 : vector<16xf32>
      %add3A_641 = arith.constant 26 : i32
      %add3A_642 = vector.broadcast %add3A_641 : i32 to vector<16xi32>
      %add3A_643 = arith.addi %get3A_104, %add3A_642 : vector<16xi32>
      %add3A_644 = arith.constant 26 : i32
      %add3A_645 = vector.broadcast %add3A_644 : i32 to vector<16xi32>
      %add3A_646 = arith.addi %get3A_108, %add3A_645 : vector<16xi32>
      %lt3A_647 = arith.cmpi slt, %add3A_643, %get3A_106 : vector<16xi32>
      %lt3A_648 = arith.cmpi slt, %add3A_646, %get3A_110 : vector<16xi32>
      %gather3A_649 = tpu.vector_load_idx %arg6[%add3A_643] : memref<2048xf32, #tpu.memory_space<vmem>>[vector<16xi32>], vector<16xf32>,
      %select_n3A_650 = arith.select %lt3A_647, %gather3A_649, %broadcast_in_dim3A_121 : vector<16xi1>, vector<16xf32>
      %add3A_651 = arith.addf %add3A_631, %select_n3A_650 : vector<16xf32>
      %gather3A_652 = tpu.vector_load_idx %arg7[%add3A_643] : memref<2048xf32, #tpu.memory_space<vmem>>[vector<16xi32>], vector<16xf32>,
      %select_n3A_653 = arith.select %lt3A_647, %gather3A_652, %broadcast_in_dim3A_121 : vector<16xi1>, vector<16xf32>
      %add3A_654 = arith.addf %add3A_634, %select_n3A_653 : vector<16xf32>
      %gather3A_655 = tpu.vector_load_idx %arg8[%add3A_646] : memref<2048xf32, #tpu.memory_space<vmem>>[vector<16xi32>], vector<16xf32>,
      %select_n3A_656 = arith.select %lt3A_648, %gather3A_655, %broadcast_in_dim3A_121 : vector<16xi1>, vector<16xf32>
      %add3A_657 = arith.addf %add3A_637, %select_n3A_656 : vector<16xf32>
      %gather3A_658 = tpu.vector_load_idx %arg9[%add3A_646] : memref<2048xf32, #tpu.memory_space<vmem>>[vector<16xi32>], vector<16xf32>,
      %select_n3A_659 = arith.select %lt3A_648, %gather3A_658, %broadcast_in_dim3A_121 : vector<16xi1>, vector<16xf32>
      %add3A_660 = arith.addf %add3A_640, %select_n3A_659 : vector<16xf32>
      %add3A_661 = arith.constant 27 : i32
      %add3A_662 = vector.broadcast %add3A_661 : i32 to vector<16xi32>
      %add3A_663 = arith.addi %get3A_104, %add3A_662 : vector<16xi32>
      %add3A_664 = arith.constant 27 : i32
      %add3A_665 = vector.broadcast %add3A_664 : i32 to vector<16xi32>
      %add3A_666 = arith.addi %get3A_108, %add3A_665 : vector<16xi32>
      %lt3A_667 = arith.cmpi slt, %add3A_663, %get3A_106 : vector<16xi32>
      %lt3A_668 = arith.cmpi slt, %add3A_666, %get3A_110 : vector<16xi32>
      %gather3A_669 = tpu.vector_load_idx %arg6[%add3A_663] : memref<2048xf32, #tpu.memory_space<vmem>>[vector<16xi32>], vector<16xf32>,
      %select_n3A_670 = arith.select %lt3A_667, %gather3A_669, %broadcast_in_dim3A_121 : vector<16xi1>, vector<16xf32>
      %add3A_671 = arith.addf %add3A_651, %select_n3A_670 : vector<16xf32>
      %gather3A_672 = tpu.vector_load_idx %arg7[%add3A_663] : memref<2048xf32, #tpu.memory_space<vmem>>[vector<16xi32>], vector<16xf32>,
      %select_n3A_673 = arith.select %lt3A_667, %gather3A_672, %broadcast_in_dim3A_121 : vector<16xi1>, vector<16xf32>
      %add3A_674 = arith.addf %add3A_654, %select_n3A_673 : vector<16xf32>
      %gather3A_675 = tpu.vector_load_idx %arg8[%add3A_666] : memref<2048xf32, #tpu.memory_space<vmem>>[vector<16xi32>], vector<16xf32>,
      %select_n3A_676 = arith.select %lt3A_668, %gather3A_675, %broadcast_in_dim3A_121 : vector<16xi1>, vector<16xf32>
      %add3A_677 = arith.addf %add3A_657, %select_n3A_676 : vector<16xf32>
      %gather3A_678 = tpu.vector_load_idx %arg9[%add3A_666] : memref<2048xf32, #tpu.memory_space<vmem>>[vector<16xi32>], vector<16xf32>,
      %select_n3A_679 = arith.select %lt3A_668, %gather3A_678, %broadcast_in_dim3A_121 : vector<16xi1>, vector<16xf32>
      %add3A_680 = arith.addf %add3A_660, %select_n3A_679 : vector<16xf32>
      %add3A_681 = arith.constant 28 : i32
      %add3A_682 = vector.broadcast %add3A_681 : i32 to vector<16xi32>
      %add3A_683 = arith.addi %get3A_104, %add3A_682 : vector<16xi32>
      %add3A_684 = arith.constant 28 : i32
      %add3A_685 = vector.broadcast %add3A_684 : i32 to vector<16xi32>
      %add3A_686 = arith.addi %get3A_108, %add3A_685 : vector<16xi32>
      %lt3A_687 = arith.cmpi slt, %add3A_683, %get3A_106 : vector<16xi32>
      %lt3A_688 = arith.cmpi slt, %add3A_686, %get3A_110 : vector<16xi32>
      %gather3A_689 = tpu.vector_load_idx %arg6[%add3A_683] : memref<2048xf32, #tpu.memory_space<vmem>>[vector<16xi32>], vector<16xf32>,
      %select_n3A_690 = arith.select %lt3A_687, %gather3A_689, %broadcast_in_dim3A_121 : vector<16xi1>, vector<16xf32>
      %add3A_691 = arith.addf %add3A_671, %select_n3A_690 : vector<16xf32>
      %gather3A_692 = tpu.vector_load_idx %arg7[%add3A_683] : memref<2048xf32, #tpu.memory_space<vmem>>[vector<16xi32>], vector<16xf32>,
      %select_n3A_693 = arith.select %lt3A_687, %gather3A_692, %broadcast_in_dim3A_121 : vector<16xi1>, vector<16xf32>
      %add3A_694 = arith.addf %add3A_674, %select_n3A_693 : vector<16xf32>
      %gather3A_695 = tpu.vector_load_idx %arg8[%add3A_686] : memref<2048xf32, #tpu.memory_space<vmem>>[vector<16xi32>], vector<16xf32>,
      %select_n3A_696 = arith.select %lt3A_688, %gather3A_695, %broadcast_in_dim3A_121 : vector<16xi1>, vector<16xf32>
      %add3A_697 = arith.addf %add3A_677, %select_n3A_696 : vector<16xf32>
      %gather3A_698 = tpu.vector_load_idx %arg9[%add3A_686] : memref<2048xf32, #tpu.memory_space<vmem>>[vector<16xi32>], vector<16xf32>,
      %select_n3A_699 = arith.select %lt3A_688, %gather3A_698, %broadcast_in_dim3A_121 : vector<16xi1>, vector<16xf32>
      %add3A_700 = arith.addf %add3A_680, %select_n3A_699 : vector<16xf32>
      %add3A_701 = arith.constant 29 : i32
      %add3A_702 = vector.broadcast %add3A_701 : i32 to vector<16xi32>
      %add3A_703 = arith.addi %get3A_104, %add3A_702 : vector<16xi32>
      %add3A_704 = arith.constant 29 : i32
      %add3A_705 = vector.broadcast %add3A_704 : i32 to vector<16xi32>
      %add3A_706 = arith.addi %get3A_108, %add3A_705 : vector<16xi32>
      %lt3A_707 = arith.cmpi slt, %add3A_703, %get3A_106 : vector<16xi32>
      %lt3A_708 = arith.cmpi slt, %add3A_706, %get3A_110 : vector<16xi32>
      %gather3A_709 = tpu.vector_load_idx %arg6[%add3A_703] : memref<2048xf32, #tpu.memory_space<vmem>>[vector<16xi32>], vector<16xf32>,
      %select_n3A_710 = arith.select %lt3A_707, %gather3A_709, %broadcast_in_dim3A_121 : vector<16xi1>, vector<16xf32>
      %add3A_711 = arith.addf %add3A_691, %select_n3A_710 : vector<16xf32>
      %gather3A_712 = tpu.vector_load_idx %arg7[%add3A_703] : memref<2048xf32, #tpu.memory_space<vmem>>[vector<16xi32>], vector<16xf32>,
      %select_n3A_713 = arith.select %lt3A_707, %gather3A_712, %broadcast_in_dim3A_121 : vector<16xi1>, vector<16xf32>
      %add3A_714 = arith.addf %add3A_694, %select_n3A_713 : vector<16xf32>
      %gather3A_715 = tpu.vector_load_idx %arg8[%add3A_706] : memref<2048xf32, #tpu.memory_space<vmem>>[vector<16xi32>], vector<16xf32>,
      %select_n3A_716 = arith.select %lt3A_708, %gather3A_715, %broadcast_in_dim3A_121 : vector<16xi1>, vector<16xf32>
      %add3A_717 = arith.addf %add3A_697, %select_n3A_716 : vector<16xf32>
      %gather3A_718 = tpu.vector_load_idx %arg9[%add3A_706] : memref<2048xf32, #tpu.memory_space<vmem>>[vector<16xi32>], vector<16xf32>,
      %select_n3A_719 = arith.select %lt3A_708, %gather3A_718, %broadcast_in_dim3A_121 : vector<16xi1>, vector<16xf32>
      %add3A_720 = arith.addf %add3A_700, %select_n3A_719 : vector<16xf32>
      %add3A_721 = arith.constant 30 : i32
      %add3A_722 = vector.broadcast %add3A_721 : i32 to vector<16xi32>
      %add3A_723 = arith.addi %get3A_104, %add3A_722 : vector<16xi32>
      %add3A_724 = arith.constant 30 : i32
      %add3A_725 = vector.broadcast %add3A_724 : i32 to vector<16xi32>
      %add3A_726 = arith.addi %get3A_108, %add3A_725 : vector<16xi32>
      %lt3A_727 = arith.cmpi slt, %add3A_723, %get3A_106 : vector<16xi32>
      %lt3A_728 = arith.cmpi slt, %add3A_726, %get3A_110 : vector<16xi32>
      %gather3A_729 = tpu.vector_load_idx %arg6[%add3A_723] : memref<2048xf32, #tpu.memory_space<vmem>>[vector<16xi32>], vector<16xf32>,
      %select_n3A_730 = arith.select %lt3A_727, %gather3A_729, %broadcast_in_dim3A_121 : vector<16xi1>, vector<16xf32>
      %add3A_731 = arith.addf %add3A_711, %select_n3A_730 : vector<16xf32>
      %gather3A_732 = tpu.vector_load_idx %arg7[%add3A_723] : memref<2048xf32, #tpu.memory_space<vmem>>[vector<16xi32>], vector<16xf32>,
      %select_n3A_733 = arith.select %lt3A_727, %gather3A_732, %broadcast_in_dim3A_121 : vector<16xi1>, vector<16xf32>
      %add3A_734 = arith.addf %add3A_714, %select_n3A_733 : vector<16xf32>
      %gather3A_735 = tpu.vector_load_idx %arg8[%add3A_726] : memref<2048xf32, #tpu.memory_space<vmem>>[vector<16xi32>], vector<16xf32>,
      %select_n3A_736 = arith.select %lt3A_728, %gather3A_735, %broadcast_in_dim3A_121 : vector<16xi1>, vector<16xf32>
      %add3A_737 = arith.addf %add3A_717, %select_n3A_736 : vector<16xf32>
      %gather3A_738 = tpu.vector_load_idx %arg9[%add3A_726] : memref<2048xf32, #tpu.memory_space<vmem>>[vector<16xi32>], vector<16xf32>,
      %select_n3A_739 = arith.select %lt3A_728, %gather3A_738, %broadcast_in_dim3A_121 : vector<16xi1>, vector<16xf32>
      %add3A_740 = arith.addf %add3A_720, %select_n3A_739 : vector<16xf32>
      %add3A_741 = arith.constant 31 : i32
      %add3A_742 = vector.broadcast %add3A_741 : i32 to vector<16xi32>
      %add3A_743 = arith.addi %get3A_104, %add3A_742 : vector<16xi32>
      %add3A_744 = arith.constant 31 : i32
      %add3A_745 = vector.broadcast %add3A_744 : i32 to vector<16xi32>
      %add3A_746 = arith.addi %get3A_108, %add3A_745 : vector<16xi32>
      %lt3A_747 = arith.cmpi slt, %add3A_743, %get3A_106 : vector<16xi32>
      %lt3A_748 = arith.cmpi slt, %add3A_746, %get3A_110 : vector<16xi32>
      %gather3A_749 = tpu.vector_load_idx %arg6[%add3A_743] : memref<2048xf32, #tpu.memory_space<vmem>>[vector<16xi32>], vector<16xf32>,
      %select_n3A_750 = arith.select %lt3A_747, %gather3A_749, %broadcast_in_dim3A_121 : vector<16xi1>, vector<16xf32>
      %add3A_751 = arith.addf %add3A_731, %select_n3A_750 : vector<16xf32>
      %gather3A_752 = tpu.vector_load_idx %arg7[%add3A_743] : memref<2048xf32, #tpu.memory_space<vmem>>[vector<16xi32>], vector<16xf32>,
      %select_n3A_753 = arith.select %lt3A_747, %gather3A_752, %broadcast_in_dim3A_121 : vector<16xi1>, vector<16xf32>
      %add3A_754 = arith.addf %add3A_734, %select_n3A_753 : vector<16xf32>
      %gather3A_755 = tpu.vector_load_idx %arg8[%add3A_746] : memref<2048xf32, #tpu.memory_space<vmem>>[vector<16xi32>], vector<16xf32>,
      %select_n3A_756 = arith.select %lt3A_748, %gather3A_755, %broadcast_in_dim3A_121 : vector<16xi1>, vector<16xf32>
      %add3A_757 = arith.addf %add3A_737, %select_n3A_756 : vector<16xf32>
      %gather3A_758 = tpu.vector_load_idx %arg9[%add3A_746] : memref<2048xf32, #tpu.memory_space<vmem>>[vector<16xi32>], vector<16xf32>,
      %select_n3A_759 = arith.select %lt3A_748, %gather3A_758, %broadcast_in_dim3A_121 : vector<16xi1>, vector<16xf32>
      %add3A_760 = arith.addf %add3A_740, %select_n3A_759 : vector<16xf32>
      %add3A_761 = arith.constant 32 : i32
      %add3A_762 = vector.broadcast %add3A_761 : i32 to vector<16xi32>
      %add3A_763 = arith.addi %get3A_104, %add3A_762 : vector<16xi32>
      %add3A_764 = arith.constant 32 : i32
      %add3A_765 = vector.broadcast %add3A_764 : i32 to vector<16xi32>
      %add3A_766 = arith.addi %get3A_108, %add3A_765 : vector<16xi32>
      %lt3A_767 = arith.cmpi slt, %add3A_763, %get3A_106 : vector<16xi32>
      %lt3A_768 = arith.cmpi slt, %add3A_766, %get3A_110 : vector<16xi32>
      %gather3A_769 = tpu.vector_load_idx %arg6[%add3A_763] : memref<2048xf32, #tpu.memory_space<vmem>>[vector<16xi32>], vector<16xf32>,
      %select_n3A_770 = arith.select %lt3A_767, %gather3A_769, %broadcast_in_dim3A_121 : vector<16xi1>, vector<16xf32>
      %add3A_771 = arith.addf %add3A_751, %select_n3A_770 : vector<16xf32>
      %gather3A_772 = tpu.vector_load_idx %arg7[%add3A_763] : memref<2048xf32, #tpu.memory_space<vmem>>[vector<16xi32>], vector<16xf32>,
      %select_n3A_773 = arith.select %lt3A_767, %gather3A_772, %broadcast_in_dim3A_121 : vector<16xi1>, vector<16xf32>
      %add3A_774 = arith.addf %add3A_754, %select_n3A_773 : vector<16xf32>
      %gather3A_775 = tpu.vector_load_idx %arg8[%add3A_766] : memref<2048xf32, #tpu.memory_space<vmem>>[vector<16xi32>], vector<16xf32>,
      %select_n3A_776 = arith.select %lt3A_768, %gather3A_775, %broadcast_in_dim3A_121 : vector<16xi1>, vector<16xf32>
      %add3A_777 = arith.addf %add3A_757, %select_n3A_776 : vector<16xf32>
      %gather3A_778 = tpu.vector_load_idx %arg9[%add3A_766] : memref<2048xf32, #tpu.memory_space<vmem>>[vector<16xi32>], vector<16xf32>,
      %select_n3A_779 = arith.select %lt3A_768, %gather3A_778, %broadcast_in_dim3A_121 : vector<16xi1>, vector<16xf32>
      %add3A_780 = arith.addf %add3A_760, %select_n3A_779 : vector<16xf32>
      %add3A_781 = arith.constant 33 : i32
      %add3A_782 = vector.broadcast %add3A_781 : i32 to vector<16xi32>
      %add3A_783 = arith.addi %get3A_104, %add3A_782 : vector<16xi32>
      %add3A_784 = arith.constant 33 : i32
      %add3A_785 = vector.broadcast %add3A_784 : i32 to vector<16xi32>
      %add3A_786 = arith.addi %get3A_108, %add3A_785 : vector<16xi32>
      %lt3A_787 = arith.cmpi slt, %add3A_783, %get3A_106 : vector<16xi32>
      %lt3A_788 = arith.cmpi slt, %add3A_786, %get3A_110 : vector<16xi32>
      %gather3A_789 = tpu.vector_load_idx %arg6[%add3A_783] : memref<2048xf32, #tpu.memory_space<vmem>>[vector<16xi32>], vector<16xf32>,
      %select_n3A_790 = arith.select %lt3A_787, %gather3A_789, %broadcast_in_dim3A_121 : vector<16xi1>, vector<16xf32>
      %add3A_791 = arith.addf %add3A_771, %select_n3A_790 : vector<16xf32>
      %gather3A_792 = tpu.vector_load_idx %arg7[%add3A_783] : memref<2048xf32, #tpu.memory_space<vmem>>[vector<16xi32>], vector<16xf32>,
      %select_n3A_793 = arith.select %lt3A_787, %gather3A_792, %broadcast_in_dim3A_121 : vector<16xi1>, vector<16xf32>
      %add3A_794 = arith.addf %add3A_774, %select_n3A_793 : vector<16xf32>
      %gather3A_795 = tpu.vector_load_idx %arg8[%add3A_786] : memref<2048xf32, #tpu.memory_space<vmem>>[vector<16xi32>], vector<16xf32>,
      %select_n3A_796 = arith.select %lt3A_788, %gather3A_795, %broadcast_in_dim3A_121 : vector<16xi1>, vector<16xf32>
      %add3A_797 = arith.addf %add3A_777, %select_n3A_796 : vector<16xf32>
      %gather3A_798 = tpu.vector_load_idx %arg9[%add3A_786] : memref<2048xf32, #tpu.memory_space<vmem>>[vector<16xi32>], vector<16xf32>,
      %select_n3A_799 = arith.select %lt3A_788, %gather3A_798, %broadcast_in_dim3A_121 : vector<16xi1>, vector<16xf32>
      %add3A_800 = arith.addf %add3A_780, %select_n3A_799 : vector<16xf32>
      %add3A_801 = arith.constant 34 : i32
      %add3A_802 = vector.broadcast %add3A_801 : i32 to vector<16xi32>
      %add3A_803 = arith.addi %get3A_104, %add3A_802 : vector<16xi32>
      %add3A_804 = arith.constant 34 : i32
      %add3A_805 = vector.broadcast %add3A_804 : i32 to vector<16xi32>
      %add3A_806 = arith.addi %get3A_108, %add3A_805 : vector<16xi32>
      %lt3A_807 = arith.cmpi slt, %add3A_803, %get3A_106 : vector<16xi32>
      %lt3A_808 = arith.cmpi slt, %add3A_806, %get3A_110 : vector<16xi32>
      %gather3A_809 = tpu.vector_load_idx %arg6[%add3A_803] : memref<2048xf32, #tpu.memory_space<vmem>>[vector<16xi32>], vector<16xf32>,
      %select_n3A_810 = arith.select %lt3A_807, %gather3A_809, %broadcast_in_dim3A_121 : vector<16xi1>, vector<16xf32>
      %add3A_811 = arith.addf %add3A_791, %select_n3A_810 : vector<16xf32>
      %gather3A_812 = tpu.vector_load_idx %arg7[%add3A_803] : memref<2048xf32, #tpu.memory_space<vmem>>[vector<16xi32>], vector<16xf32>,
      %select_n3A_813 = arith.select %lt3A_807, %gather3A_812, %broadcast_in_dim3A_121 : vector<16xi1>, vector<16xf32>
      %add3A_814 = arith.addf %add3A_794, %select_n3A_813 : vector<16xf32>
      %gather3A_815 = tpu.vector_load_idx %arg8[%add3A_806] : memref<2048xf32, #tpu.memory_space<vmem>>[vector<16xi32>], vector<16xf32>,
      %select_n3A_816 = arith.select %lt3A_808, %gather3A_815, %broadcast_in_dim3A_121 : vector<16xi1>, vector<16xf32>
      %add3A_817 = arith.addf %add3A_797, %select_n3A_816 : vector<16xf32>
      %gather3A_818 = tpu.vector_load_idx %arg9[%add3A_806] : memref<2048xf32, #tpu.memory_space<vmem>>[vector<16xi32>], vector<16xf32>,
      %select_n3A_819 = arith.select %lt3A_808, %gather3A_818, %broadcast_in_dim3A_121 : vector<16xi1>, vector<16xf32>
      %add3A_820 = arith.addf %add3A_800, %select_n3A_819 : vector<16xf32>
      %add3A_821 = arith.constant 35 : i32
      %add3A_822 = vector.broadcast %add3A_821 : i32 to vector<16xi32>
      %add3A_823 = arith.addi %get3A_104, %add3A_822 : vector<16xi32>
      %add3A_824 = arith.constant 35 : i32
      %add3A_825 = vector.broadcast %add3A_824 : i32 to vector<16xi32>
      %add3A_826 = arith.addi %get3A_108, %add3A_825 : vector<16xi32>
      %lt3A_827 = arith.cmpi slt, %add3A_823, %get3A_106 : vector<16xi32>
      %lt3A_828 = arith.cmpi slt, %add3A_826, %get3A_110 : vector<16xi32>
      %gather3A_829 = tpu.vector_load_idx %arg6[%add3A_823] : memref<2048xf32, #tpu.memory_space<vmem>>[vector<16xi32>], vector<16xf32>,
      %select_n3A_830 = arith.select %lt3A_827, %gather3A_829, %broadcast_in_dim3A_121 : vector<16xi1>, vector<16xf32>
      %add3A_831 = arith.addf %add3A_811, %select_n3A_830 : vector<16xf32>
      %gather3A_832 = tpu.vector_load_idx %arg7[%add3A_823] : memref<2048xf32, #tpu.memory_space<vmem>>[vector<16xi32>], vector<16xf32>,
      %select_n3A_833 = arith.select %lt3A_827, %gather3A_832, %broadcast_in_dim3A_121 : vector<16xi1>, vector<16xf32>
      %add3A_834 = arith.addf %add3A_814, %select_n3A_833 : vector<16xf32>
      %gather3A_835 = tpu.vector_load_idx %arg8[%add3A_826] : memref<2048xf32, #tpu.memory_space<vmem>>[vector<16xi32>], vector<16xf32>,
      %select_n3A_836 = arith.select %lt3A_828, %gather3A_835, %broadcast_in_dim3A_121 : vector<16xi1>, vector<16xf32>
      %add3A_837 = arith.addf %add3A_817, %select_n3A_836 : vector<16xf32>
      %gather3A_838 = tpu.vector_load_idx %arg9[%add3A_826] : memref<2048xf32, #tpu.memory_space<vmem>>[vector<16xi32>], vector<16xf32>,
      %select_n3A_839 = arith.select %lt3A_828, %gather3A_838, %broadcast_in_dim3A_121 : vector<16xi1>, vector<16xf32>
      %add3A_840 = arith.addf %add3A_820, %select_n3A_839 : vector<16xf32>
      %add3A_841 = arith.constant 36 : i32
      %add3A_842 = vector.broadcast %add3A_841 : i32 to vector<16xi32>
      %add3A_843 = arith.addi %get3A_104, %add3A_842 : vector<16xi32>
      %add3A_844 = arith.constant 36 : i32
      %add3A_845 = vector.broadcast %add3A_844 : i32 to vector<16xi32>
      %add3A_846 = arith.addi %get3A_108, %add3A_845 : vector<16xi32>
      %lt3A_847 = arith.cmpi slt, %add3A_843, %get3A_106 : vector<16xi32>
      %lt3A_848 = arith.cmpi slt, %add3A_846, %get3A_110 : vector<16xi32>
      %gather3A_849 = tpu.vector_load_idx %arg6[%add3A_843] : memref<2048xf32, #tpu.memory_space<vmem>>[vector<16xi32>], vector<16xf32>,
      %select_n3A_850 = arith.select %lt3A_847, %gather3A_849, %broadcast_in_dim3A_121 : vector<16xi1>, vector<16xf32>
      %add3A_851 = arith.addf %add3A_831, %select_n3A_850 : vector<16xf32>
      %gather3A_852 = tpu.vector_load_idx %arg7[%add3A_843] : memref<2048xf32, #tpu.memory_space<vmem>>[vector<16xi32>], vector<16xf32>,
      %select_n3A_853 = arith.select %lt3A_847, %gather3A_852, %broadcast_in_dim3A_121 : vector<16xi1>, vector<16xf32>
      %add3A_854 = arith.addf %add3A_834, %select_n3A_853 : vector<16xf32>
      %gather3A_855 = tpu.vector_load_idx %arg8[%add3A_846] : memref<2048xf32, #tpu.memory_space<vmem>>[vector<16xi32>], vector<16xf32>,
      %select_n3A_856 = arith.select %lt3A_848, %gather3A_855, %broadcast_in_dim3A_121 : vector<16xi1>, vector<16xf32>
      %add3A_857 = arith.addf %add3A_837, %select_n3A_856 : vector<16xf32>
      %gather3A_858 = tpu.vector_load_idx %arg9[%add3A_846] : memref<2048xf32, #tpu.memory_space<vmem>>[vector<16xi32>], vector<16xf32>,
      %select_n3A_859 = arith.select %lt3A_848, %gather3A_858, %broadcast_in_dim3A_121 : vector<16xi1>, vector<16xf32>
      %add3A_860 = arith.addf %add3A_840, %select_n3A_859 : vector<16xf32>
      %add3A_861 = arith.constant 37 : i32
      %add3A_862 = vector.broadcast %add3A_861 : i32 to vector<16xi32>
      %add3A_863 = arith.addi %get3A_104, %add3A_862 : vector<16xi32>
      %add3A_864 = arith.constant 37 : i32
      %add3A_865 = vector.broadcast %add3A_864 : i32 to vector<16xi32>
      %add3A_866 = arith.addi %get3A_108, %add3A_865 : vector<16xi32>
      %lt3A_867 = arith.cmpi slt, %add3A_863, %get3A_106 : vector<16xi32>
      %lt3A_868 = arith.cmpi slt, %add3A_866, %get3A_110 : vector<16xi32>
      %gather3A_869 = tpu.vector_load_idx %arg6[%add3A_863] : memref<2048xf32, #tpu.memory_space<vmem>>[vector<16xi32>], vector<16xf32>,
      %select_n3A_870 = arith.select %lt3A_867, %gather3A_869, %broadcast_in_dim3A_121 : vector<16xi1>, vector<16xf32>
      %add3A_871 = arith.addf %add3A_851, %select_n3A_870 : vector<16xf32>
      %gather3A_872 = tpu.vector_load_idx %arg7[%add3A_863] : memref<2048xf32, #tpu.memory_space<vmem>>[vector<16xi32>], vector<16xf32>,
      %select_n3A_873 = arith.select %lt3A_867, %gather3A_872, %broadcast_in_dim3A_121 : vector<16xi1>, vector<16xf32>
      %add3A_874 = arith.addf %add3A_854, %select_n3A_873 : vector<16xf32>
      %gather3A_875 = tpu.vector_load_idx %arg8[%add3A_866] : memref<2048xf32, #tpu.memory_space<vmem>>[vector<16xi32>], vector<16xf32>,
      %select_n3A_876 = arith.select %lt3A_868, %gather3A_875, %broadcast_in_dim3A_121 : vector<16xi1>, vector<16xf32>
      %add3A_877 = arith.addf %add3A_857, %select_n3A_876 : vector<16xf32>
      %gather3A_878 = tpu.vector_load_idx %arg9[%add3A_866] : memref<2048xf32, #tpu.memory_space<vmem>>[vector<16xi32>], vector<16xf32>,
      %select_n3A_879 = arith.select %lt3A_868, %gather3A_878, %broadcast_in_dim3A_121 : vector<16xi1>, vector<16xf32>
      %add3A_880 = arith.addf %add3A_860, %select_n3A_879 : vector<16xf32>
      %add3A_881 = arith.constant 38 : i32
      %add3A_882 = vector.broadcast %add3A_881 : i32 to vector<16xi32>
      %add3A_883 = arith.addi %get3A_104, %add3A_882 : vector<16xi32>
      %add3A_884 = arith.constant 38 : i32
      %add3A_885 = vector.broadcast %add3A_884 : i32 to vector<16xi32>
      %add3A_886 = arith.addi %get3A_108, %add3A_885 : vector<16xi32>
      %lt3A_887 = arith.cmpi slt, %add3A_883, %get3A_106 : vector<16xi32>
      %lt3A_888 = arith.cmpi slt, %add3A_886, %get3A_110 : vector<16xi32>
      %gather3A_889 = tpu.vector_load_idx %arg6[%add3A_883] : memref<2048xf32, #tpu.memory_space<vmem>>[vector<16xi32>], vector<16xf32>,
      %select_n3A_890 = arith.select %lt3A_887, %gather3A_889, %broadcast_in_dim3A_121 : vector<16xi1>, vector<16xf32>
      %add3A_891 = arith.addf %add3A_871, %select_n3A_890 : vector<16xf32>
      %gather3A_892 = tpu.vector_load_idx %arg7[%add3A_883] : memref<2048xf32, #tpu.memory_space<vmem>>[vector<16xi32>], vector<16xf32>,
      %select_n3A_893 = arith.select %lt3A_887, %gather3A_892, %broadcast_in_dim3A_121 : vector<16xi1>, vector<16xf32>
      %add3A_894 = arith.addf %add3A_874, %select_n3A_893 : vector<16xf32>
      %gather3A_895 = tpu.vector_load_idx %arg8[%add3A_886] : memref<2048xf32, #tpu.memory_space<vmem>>[vector<16xi32>], vector<16xf32>,
      %select_n3A_896 = arith.select %lt3A_888, %gather3A_895, %broadcast_in_dim3A_121 : vector<16xi1>, vector<16xf32>
      %add3A_897 = arith.addf %add3A_877, %select_n3A_896 : vector<16xf32>
      %gather3A_898 = tpu.vector_load_idx %arg9[%add3A_886] : memref<2048xf32, #tpu.memory_space<vmem>>[vector<16xi32>], vector<16xf32>,
      %select_n3A_899 = arith.select %lt3A_888, %gather3A_898, %broadcast_in_dim3A_121 : vector<16xi1>, vector<16xf32>
      %add3A_900 = arith.addf %add3A_880, %select_n3A_899 : vector<16xf32>
      %add3A_901 = arith.constant 39 : i32
      %add3A_902 = vector.broadcast %add3A_901 : i32 to vector<16xi32>
      %add3A_903 = arith.addi %get3A_104, %add3A_902 : vector<16xi32>
      %add3A_904 = arith.constant 39 : i32
      %add3A_905 = vector.broadcast %add3A_904 : i32 to vector<16xi32>
      %add3A_906 = arith.addi %get3A_108, %add3A_905 : vector<16xi32>
      %lt3A_907 = arith.cmpi slt, %add3A_903, %get3A_106 : vector<16xi32>
      %lt3A_908 = arith.cmpi slt, %add3A_906, %get3A_110 : vector<16xi32>
      %gather3A_909 = tpu.vector_load_idx %arg6[%add3A_903] : memref<2048xf32, #tpu.memory_space<vmem>>[vector<16xi32>], vector<16xf32>,
      %select_n3A_910 = arith.select %lt3A_907, %gather3A_909, %broadcast_in_dim3A_121 : vector<16xi1>, vector<16xf32>
      %add3A_911 = arith.addf %add3A_891, %select_n3A_910 : vector<16xf32>
      %gather3A_912 = tpu.vector_load_idx %arg7[%add3A_903] : memref<2048xf32, #tpu.memory_space<vmem>>[vector<16xi32>], vector<16xf32>,
      %select_n3A_913 = arith.select %lt3A_907, %gather3A_912, %broadcast_in_dim3A_121 : vector<16xi1>, vector<16xf32>
      %add3A_914 = arith.addf %add3A_894, %select_n3A_913 : vector<16xf32>
      %gather3A_915 = tpu.vector_load_idx %arg8[%add3A_906] : memref<2048xf32, #tpu.memory_space<vmem>>[vector<16xi32>], vector<16xf32>,
      %select_n3A_916 = arith.select %lt3A_908, %gather3A_915, %broadcast_in_dim3A_121 : vector<16xi1>, vector<16xf32>
      %add3A_917 = arith.addf %add3A_897, %select_n3A_916 : vector<16xf32>
      %gather3A_918 = tpu.vector_load_idx %arg9[%add3A_906] : memref<2048xf32, #tpu.memory_space<vmem>>[vector<16xi32>], vector<16xf32>,
      %select_n3A_919 = arith.select %lt3A_908, %gather3A_918, %broadcast_in_dim3A_121 : vector<16xi1>, vector<16xf32>
      %add3A_920 = arith.addf %add3A_900, %select_n3A_919 : vector<16xf32>
      %add3A_921 = arith.constant 40 : i32
      %add3A_922 = vector.broadcast %add3A_921 : i32 to vector<16xi32>
      %add3A_923 = arith.addi %get3A_104, %add3A_922 : vector<16xi32>
      %add3A_924 = arith.constant 40 : i32
      %add3A_925 = vector.broadcast %add3A_924 : i32 to vector<16xi32>
      %add3A_926 = arith.addi %get3A_108, %add3A_925 : vector<16xi32>
      %lt3A_927 = arith.cmpi slt, %add3A_923, %get3A_106 : vector<16xi32>
      %lt3A_928 = arith.cmpi slt, %add3A_926, %get3A_110 : vector<16xi32>
      %gather3A_929 = tpu.vector_load_idx %arg6[%add3A_923] : memref<2048xf32, #tpu.memory_space<vmem>>[vector<16xi32>], vector<16xf32>,
      %select_n3A_930 = arith.select %lt3A_927, %gather3A_929, %broadcast_in_dim3A_121 : vector<16xi1>, vector<16xf32>
      %add3A_931 = arith.addf %add3A_911, %select_n3A_930 : vector<16xf32>
      %gather3A_932 = tpu.vector_load_idx %arg7[%add3A_923] : memref<2048xf32, #tpu.memory_space<vmem>>[vector<16xi32>], vector<16xf32>,
      %select_n3A_933 = arith.select %lt3A_927, %gather3A_932, %broadcast_in_dim3A_121 : vector<16xi1>, vector<16xf32>
      %add3A_934 = arith.addf %add3A_914, %select_n3A_933 : vector<16xf32>
      %gather3A_935 = tpu.vector_load_idx %arg8[%add3A_926] : memref<2048xf32, #tpu.memory_space<vmem>>[vector<16xi32>], vector<16xf32>,
      %select_n3A_936 = arith.select %lt3A_928, %gather3A_935, %broadcast_in_dim3A_121 : vector<16xi1>, vector<16xf32>
      %add3A_937 = arith.addf %add3A_917, %select_n3A_936 : vector<16xf32>
      %gather3A_938 = tpu.vector_load_idx %arg9[%add3A_926] : memref<2048xf32, #tpu.memory_space<vmem>>[vector<16xi32>], vector<16xf32>,
      %select_n3A_939 = arith.select %lt3A_928, %gather3A_938, %broadcast_in_dim3A_121 : vector<16xi1>, vector<16xf32>
      %add3A_940 = arith.addf %add3A_920, %select_n3A_939 : vector<16xf32>
      %add3A_941 = arith.constant 41 : i32
      %add3A_942 = vector.broadcast %add3A_941 : i32 to vector<16xi32>
      %add3A_943 = arith.addi %get3A_104, %add3A_942 : vector<16xi32>
      %add3A_944 = arith.constant 41 : i32
      %add3A_945 = vector.broadcast %add3A_944 : i32 to vector<16xi32>
      %add3A_946 = arith.addi %get3A_108, %add3A_945 : vector<16xi32>
      %lt3A_947 = arith.cmpi slt, %add3A_943, %get3A_106 : vector<16xi32>
      %lt3A_948 = arith.cmpi slt, %add3A_946, %get3A_110 : vector<16xi32>
      %gather3A_949 = tpu.vector_load_idx %arg6[%add3A_943] : memref<2048xf32, #tpu.memory_space<vmem>>[vector<16xi32>], vector<16xf32>,
      %select_n3A_950 = arith.select %lt3A_947, %gather3A_949, %broadcast_in_dim3A_121 : vector<16xi1>, vector<16xf32>
      %add3A_951 = arith.addf %add3A_931, %select_n3A_950 : vector<16xf32>
      %gather3A_952 = tpu.vector_load_idx %arg7[%add3A_943] : memref<2048xf32, #tpu.memory_space<vmem>>[vector<16xi32>], vector<16xf32>,
      %select_n3A_953 = arith.select %lt3A_947, %gather3A_952, %broadcast_in_dim3A_121 : vector<16xi1>, vector<16xf32>
      %add3A_954 = arith.addf %add3A_934, %select_n3A_953 : vector<16xf32>
      %gather3A_955 = tpu.vector_load_idx %arg8[%add3A_946] : memref<2048xf32, #tpu.memory_space<vmem>>[vector<16xi32>], vector<16xf32>,
      %select_n3A_956 = arith.select %lt3A_948, %gather3A_955, %broadcast_in_dim3A_121 : vector<16xi1>, vector<16xf32>
      %add3A_957 = arith.addf %add3A_937, %select_n3A_956 : vector<16xf32>
      %gather3A_958 = tpu.vector_load_idx %arg9[%add3A_946] : memref<2048xf32, #tpu.memory_space<vmem>>[vector<16xi32>], vector<16xf32>,
      %select_n3A_959 = arith.select %lt3A_948, %gather3A_958, %broadcast_in_dim3A_121 : vector<16xi1>, vector<16xf32>
      %add3A_960 = arith.addf %add3A_940, %select_n3A_959 : vector<16xf32>
      %add3A_961 = arith.constant 42 : i32
      %add3A_962 = vector.broadcast %add3A_961 : i32 to vector<16xi32>
      %add3A_963 = arith.addi %get3A_104, %add3A_962 : vector<16xi32>
      %add3A_964 = arith.constant 42 : i32
      %add3A_965 = vector.broadcast %add3A_964 : i32 to vector<16xi32>
      %add3A_966 = arith.addi %get3A_108, %add3A_965 : vector<16xi32>
      %lt3A_967 = arith.cmpi slt, %add3A_963, %get3A_106 : vector<16xi32>
      %lt3A_968 = arith.cmpi slt, %add3A_966, %get3A_110 : vector<16xi32>
      %gather3A_969 = tpu.vector_load_idx %arg6[%add3A_963] : memref<2048xf32, #tpu.memory_space<vmem>>[vector<16xi32>], vector<16xf32>,
      %select_n3A_970 = arith.select %lt3A_967, %gather3A_969, %broadcast_in_dim3A_121 : vector<16xi1>, vector<16xf32>
      %add3A_971 = arith.addf %add3A_951, %select_n3A_970 : vector<16xf32>
      %gather3A_972 = tpu.vector_load_idx %arg7[%add3A_963] : memref<2048xf32, #tpu.memory_space<vmem>>[vector<16xi32>], vector<16xf32>,
      %select_n3A_973 = arith.select %lt3A_967, %gather3A_972, %broadcast_in_dim3A_121 : vector<16xi1>, vector<16xf32>
      %add3A_974 = arith.addf %add3A_954, %select_n3A_973 : vector<16xf32>
      %gather3A_975 = tpu.vector_load_idx %arg8[%add3A_966] : memref<2048xf32, #tpu.memory_space<vmem>>[vector<16xi32>], vector<16xf32>,
      %select_n3A_976 = arith.select %lt3A_968, %gather3A_975, %broadcast_in_dim3A_121 : vector<16xi1>, vector<16xf32>
      %add3A_977 = arith.addf %add3A_957, %select_n3A_976 : vector<16xf32>
      %gather3A_978 = tpu.vector_load_idx %arg9[%add3A_966] : memref<2048xf32, #tpu.memory_space<vmem>>[vector<16xi32>], vector<16xf32>,
      %select_n3A_979 = arith.select %lt3A_968, %gather3A_978, %broadcast_in_dim3A_121 : vector<16xi1>, vector<16xf32>
      %add3A_980 = arith.addf %add3A_960, %select_n3A_979 : vector<16xf32>
      %add3A_981 = arith.constant 43 : i32
      %add3A_982 = vector.broadcast %add3A_981 : i32 to vector<16xi32>
      %add3A_983 = arith.addi %get3A_104, %add3A_982 : vector<16xi32>
      %add3A_984 = arith.constant 43 : i32
      %add3A_985 = vector.broadcast %add3A_984 : i32 to vector<16xi32>
      %add3A_986 = arith.addi %get3A_108, %add3A_985 : vector<16xi32>
      %lt3A_987 = arith.cmpi slt, %add3A_983, %get3A_106 : vector<16xi32>
      %lt3A_988 = arith.cmpi slt, %add3A_986, %get3A_110 : vector<16xi32>
      %gather3A_989 = tpu.vector_load_idx %arg6[%add3A_983] : memref<2048xf32, #tpu.memory_space<vmem>>[vector<16xi32>], vector<16xf32>,
      %select_n3A_990 = arith.select %lt3A_987, %gather3A_989, %broadcast_in_dim3A_121 : vector<16xi1>, vector<16xf32>
      %add3A_991 = arith.addf %add3A_971, %select_n3A_990 : vector<16xf32>
      %gather3A_992 = tpu.vector_load_idx %arg7[%add3A_983] : memref<2048xf32, #tpu.memory_space<vmem>>[vector<16xi32>], vector<16xf32>,
      %select_n3A_993 = arith.select %lt3A_987, %gather3A_992, %broadcast_in_dim3A_121 : vector<16xi1>, vector<16xf32>
      %add3A_994 = arith.addf %add3A_974, %select_n3A_993 : vector<16xf32>
      %gather3A_995 = tpu.vector_load_idx %arg8[%add3A_986] : memref<2048xf32, #tpu.memory_space<vmem>>[vector<16xi32>], vector<16xf32>,
      %select_n3A_996 = arith.select %lt3A_988, %gather3A_995, %broadcast_in_dim3A_121 : vector<16xi1>, vector<16xf32>
      %add3A_997 = arith.addf %add3A_977, %select_n3A_996 : vector<16xf32>
      %gather3A_998 = tpu.vector_load_idx %arg9[%add3A_986] : memref<2048xf32, #tpu.memory_space<vmem>>[vector<16xi32>], vector<16xf32>,
      %select_n3A_999 = arith.select %lt3A_988, %gather3A_998, %broadcast_in_dim3A_121 : vector<16xi1>, vector<16xf32>
      %add3A_1000 = arith.addf %add3A_980, %select_n3A_999 : vector<16xf32>
      %add3A_1001 = arith.constant 44 : i32
      %add3A_1002 = vector.broadcast %add3A_1001 : i32 to vector<16xi32>
      %add3A_1003 = arith.addi %get3A_104, %add3A_1002 : vector<16xi32>
      %add3A_1004 = arith.constant 44 : i32
      %add3A_1005 = vector.broadcast %add3A_1004 : i32 to vector<16xi32>
      %add3A_1006 = arith.addi %get3A_108, %add3A_1005 : vector<16xi32>
      %lt3A_1007 = arith.cmpi slt, %add3A_1003, %get3A_106 : vector<16xi32>
      %lt3A_1008 = arith.cmpi slt, %add3A_1006, %get3A_110 : vector<16xi32>
      %gather3A_1009 = tpu.vector_load_idx %arg6[%add3A_1003] : memref<2048xf32, #tpu.memory_space<vmem>>[vector<16xi32>], vector<16xf32>,
      %select_n3A_1010 = arith.select %lt3A_1007, %gather3A_1009, %broadcast_in_dim3A_121 : vector<16xi1>, vector<16xf32>
      %add3A_1011 = arith.addf %add3A_991, %select_n3A_1010 : vector<16xf32>
      %gather3A_1012 = tpu.vector_load_idx %arg7[%add3A_1003] : memref<2048xf32, #tpu.memory_space<vmem>>[vector<16xi32>], vector<16xf32>,
      %select_n3A_1013 = arith.select %lt3A_1007, %gather3A_1012, %broadcast_in_dim3A_121 : vector<16xi1>, vector<16xf32>
      %add3A_1014 = arith.addf %add3A_994, %select_n3A_1013 : vector<16xf32>
      %gather3A_1015 = tpu.vector_load_idx %arg8[%add3A_1006] : memref<2048xf32, #tpu.memory_space<vmem>>[vector<16xi32>], vector<16xf32>,
      %select_n3A_1016 = arith.select %lt3A_1008, %gather3A_1015, %broadcast_in_dim3A_121 : vector<16xi1>, vector<16xf32>
      %add3A_1017 = arith.addf %add3A_997, %select_n3A_1016 : vector<16xf32>
      %gather3A_1018 = tpu.vector_load_idx %arg9[%add3A_1006] : memref<2048xf32, #tpu.memory_space<vmem>>[vector<16xi32>], vector<16xf32>,
      %select_n3A_1019 = arith.select %lt3A_1008, %gather3A_1018, %broadcast_in_dim3A_121 : vector<16xi1>, vector<16xf32>
      %add3A_1020 = arith.addf %add3A_1000, %select_n3A_1019 : vector<16xf32>
      %add3A_1021 = arith.constant 45 : i32
      %add3A_1022 = vector.broadcast %add3A_1021 : i32 to vector<16xi32>
      %add3A_1023 = arith.addi %get3A_104, %add3A_1022 : vector<16xi32>
      %add3A_1024 = arith.constant 45 : i32
      %add3A_1025 = vector.broadcast %add3A_1024 : i32 to vector<16xi32>
      %add3A_1026 = arith.addi %get3A_108, %add3A_1025 : vector<16xi32>
      %lt3A_1027 = arith.cmpi slt, %add3A_1023, %get3A_106 : vector<16xi32>
      %lt3A_1028 = arith.cmpi slt, %add3A_1026, %get3A_110 : vector<16xi32>
      %gather3A_1029 = tpu.vector_load_idx %arg6[%add3A_1023] : memref<2048xf32, #tpu.memory_space<vmem>>[vector<16xi32>], vector<16xf32>,
      %select_n3A_1030 = arith.select %lt3A_1027, %gather3A_1029, %broadcast_in_dim3A_121 : vector<16xi1>, vector<16xf32>
      %add3A_1031 = arith.addf %add3A_1011, %select_n3A_1030 : vector<16xf32>
      %gather3A_1032 = tpu.vector_load_idx %arg7[%add3A_1023] : memref<2048xf32, #tpu.memory_space<vmem>>[vector<16xi32>], vector<16xf32>,
      %select_n3A_1033 = arith.select %lt3A_1027, %gather3A_1032, %broadcast_in_dim3A_121 : vector<16xi1>, vector<16xf32>
      %add3A_1034 = arith.addf %add3A_1014, %select_n3A_1033 : vector<16xf32>
      %gather3A_1035 = tpu.vector_load_idx %arg8[%add3A_1026] : memref<2048xf32, #tpu.memory_space<vmem>>[vector<16xi32>], vector<16xf32>,
      %select_n3A_1036 = arith.select %lt3A_1028, %gather3A_1035, %broadcast_in_dim3A_121 : vector<16xi1>, vector<16xf32>
      %add3A_1037 = arith.addf %add3A_1017, %select_n3A_1036 : vector<16xf32>
      %gather3A_1038 = tpu.vector_load_idx %arg9[%add3A_1026] : memref<2048xf32, #tpu.memory_space<vmem>>[vector<16xi32>], vector<16xf32>,
      %select_n3A_1039 = arith.select %lt3A_1028, %gather3A_1038, %broadcast_in_dim3A_121 : vector<16xi1>, vector<16xf32>
      %add3A_1040 = arith.addf %add3A_1020, %select_n3A_1039 : vector<16xf32>
      %add3A_1041 = arith.constant 46 : i32
      %add3A_1042 = vector.broadcast %add3A_1041 : i32 to vector<16xi32>
      %add3A_1043 = arith.addi %get3A_104, %add3A_1042 : vector<16xi32>
      %add3A_1044 = arith.constant 46 : i32
      %add3A_1045 = vector.broadcast %add3A_1044 : i32 to vector<16xi32>
      %add3A_1046 = arith.addi %get3A_108, %add3A_1045 : vector<16xi32>
      %lt3A_1047 = arith.cmpi slt, %add3A_1043, %get3A_106 : vector<16xi32>
      %lt3A_1048 = arith.cmpi slt, %add3A_1046, %get3A_110 : vector<16xi32>
      %gather3A_1049 = tpu.vector_load_idx %arg6[%add3A_1043] : memref<2048xf32, #tpu.memory_space<vmem>>[vector<16xi32>], vector<16xf32>,
      %select_n3A_1050 = arith.select %lt3A_1047, %gather3A_1049, %broadcast_in_dim3A_121 : vector<16xi1>, vector<16xf32>
      %add3A_1051 = arith.addf %add3A_1031, %select_n3A_1050 : vector<16xf32>
      %gather3A_1052 = tpu.vector_load_idx %arg7[%add3A_1043] : memref<2048xf32, #tpu.memory_space<vmem>>[vector<16xi32>], vector<16xf32>,
      %select_n3A_1053 = arith.select %lt3A_1047, %gather3A_1052, %broadcast_in_dim3A_121 : vector<16xi1>, vector<16xf32>
      %add3A_1054 = arith.addf %add3A_1034, %select_n3A_1053 : vector<16xf32>
      %gather3A_1055 = tpu.vector_load_idx %arg8[%add3A_1046] : memref<2048xf32, #tpu.memory_space<vmem>>[vector<16xi32>], vector<16xf32>,
      %select_n3A_1056 = arith.select %lt3A_1048, %gather3A_1055, %broadcast_in_dim3A_121 : vector<16xi1>, vector<16xf32>
      %add3A_1057 = arith.addf %add3A_1037, %select_n3A_1056 : vector<16xf32>
      %gather3A_1058 = tpu.vector_load_idx %arg9[%add3A_1046] : memref<2048xf32, #tpu.memory_space<vmem>>[vector<16xi32>], vector<16xf32>,
      %select_n3A_1059 = arith.select %lt3A_1048, %gather3A_1058, %broadcast_in_dim3A_121 : vector<16xi1>, vector<16xf32>
      %add3A_1060 = arith.addf %add3A_1040, %select_n3A_1059 : vector<16xf32>
      %add3A_1061 = arith.constant 47 : i32
      %add3A_1062 = vector.broadcast %add3A_1061 : i32 to vector<16xi32>
      %add3A_1063 = arith.addi %get3A_104, %add3A_1062 : vector<16xi32>
      %add3A_1064 = arith.constant 47 : i32
      %add3A_1065 = vector.broadcast %add3A_1064 : i32 to vector<16xi32>
      %add3A_1066 = arith.addi %get3A_108, %add3A_1065 : vector<16xi32>
      %lt3A_1067 = arith.cmpi slt, %add3A_1063, %get3A_106 : vector<16xi32>
      %lt3A_1068 = arith.cmpi slt, %add3A_1066, %get3A_110 : vector<16xi32>
      %gather3A_1069 = tpu.vector_load_idx %arg6[%add3A_1063] : memref<2048xf32, #tpu.memory_space<vmem>>[vector<16xi32>], vector<16xf32>,
      %select_n3A_1070 = arith.select %lt3A_1067, %gather3A_1069, %broadcast_in_dim3A_121 : vector<16xi1>, vector<16xf32>
      %add3A_1071 = arith.addf %add3A_1051, %select_n3A_1070 : vector<16xf32>
      %gather3A_1072 = tpu.vector_load_idx %arg7[%add3A_1063] : memref<2048xf32, #tpu.memory_space<vmem>>[vector<16xi32>], vector<16xf32>,
      %select_n3A_1073 = arith.select %lt3A_1067, %gather3A_1072, %broadcast_in_dim3A_121 : vector<16xi1>, vector<16xf32>
      %add3A_1074 = arith.addf %add3A_1054, %select_n3A_1073 : vector<16xf32>
      %gather3A_1075 = tpu.vector_load_idx %arg8[%add3A_1066] : memref<2048xf32, #tpu.memory_space<vmem>>[vector<16xi32>], vector<16xf32>,
      %select_n3A_1076 = arith.select %lt3A_1068, %gather3A_1075, %broadcast_in_dim3A_121 : vector<16xi1>, vector<16xf32>
      %add3A_1077 = arith.addf %add3A_1057, %select_n3A_1076 : vector<16xf32>
      %gather3A_1078 = tpu.vector_load_idx %arg9[%add3A_1066] : memref<2048xf32, #tpu.memory_space<vmem>>[vector<16xi32>], vector<16xf32>,
      %select_n3A_1079 = arith.select %lt3A_1068, %gather3A_1078, %broadcast_in_dim3A_121 : vector<16xi1>, vector<16xf32>
      %add3A_1080 = arith.addf %add3A_1060, %select_n3A_1079 : vector<16xf32>
      %add3A_1081 = arith.constant 48 : i32
      %add3A_1082 = vector.broadcast %add3A_1081 : i32 to vector<16xi32>
      %add3A_1083 = arith.addi %get3A_104, %add3A_1082 : vector<16xi32>
      %add3A_1084 = arith.constant 48 : i32
      %add3A_1085 = vector.broadcast %add3A_1084 : i32 to vector<16xi32>
      %add3A_1086 = arith.addi %get3A_108, %add3A_1085 : vector<16xi32>
      %lt3A_1087 = arith.cmpi slt, %add3A_1083, %get3A_106 : vector<16xi32>
      %lt3A_1088 = arith.cmpi slt, %add3A_1086, %get3A_110 : vector<16xi32>
      %gather3A_1089 = tpu.vector_load_idx %arg6[%add3A_1083] : memref<2048xf32, #tpu.memory_space<vmem>>[vector<16xi32>], vector<16xf32>,
      %select_n3A_1090 = arith.select %lt3A_1087, %gather3A_1089, %broadcast_in_dim3A_121 : vector<16xi1>, vector<16xf32>
      %add3A_1091 = arith.addf %add3A_1071, %select_n3A_1090 : vector<16xf32>
      %gather3A_1092 = tpu.vector_load_idx %arg7[%add3A_1083] : memref<2048xf32, #tpu.memory_space<vmem>>[vector<16xi32>], vector<16xf32>,
      %select_n3A_1093 = arith.select %lt3A_1087, %gather3A_1092, %broadcast_in_dim3A_121 : vector<16xi1>, vector<16xf32>
      %add3A_1094 = arith.addf %add3A_1074, %select_n3A_1093 : vector<16xf32>
      %gather3A_1095 = tpu.vector_load_idx %arg8[%add3A_1086] : memref<2048xf32, #tpu.memory_space<vmem>>[vector<16xi32>], vector<16xf32>,
      %select_n3A_1096 = arith.select %lt3A_1088, %gather3A_1095, %broadcast_in_dim3A_121 : vector<16xi1>, vector<16xf32>
      %add3A_1097 = arith.addf %add3A_1077, %select_n3A_1096 : vector<16xf32>
      %gather3A_1098 = tpu.vector_load_idx %arg9[%add3A_1086] : memref<2048xf32, #tpu.memory_space<vmem>>[vector<16xi32>], vector<16xf32>,
      %select_n3A_1099 = arith.select %lt3A_1088, %gather3A_1098, %broadcast_in_dim3A_121 : vector<16xi1>, vector<16xf32>
      %add3A_1100 = arith.addf %add3A_1080, %select_n3A_1099 : vector<16xf32>
      %add3A_1101 = arith.constant 49 : i32
      %add3A_1102 = vector.broadcast %add3A_1101 : i32 to vector<16xi32>
      %add3A_1103 = arith.addi %get3A_104, %add3A_1102 : vector<16xi32>
      %add3A_1104 = arith.constant 49 : i32
      %add3A_1105 = vector.broadcast %add3A_1104 : i32 to vector<16xi32>
      %add3A_1106 = arith.addi %get3A_108, %add3A_1105 : vector<16xi32>
      %lt3A_1107 = arith.cmpi slt, %add3A_1103, %get3A_106 : vector<16xi32>
      %lt3A_1108 = arith.cmpi slt, %add3A_1106, %get3A_110 : vector<16xi32>
      %gather3A_1109 = tpu.vector_load_idx %arg6[%add3A_1103] : memref<2048xf32, #tpu.memory_space<vmem>>[vector<16xi32>], vector<16xf32>,
      %select_n3A_1110 = arith.select %lt3A_1107, %gather3A_1109, %broadcast_in_dim3A_121 : vector<16xi1>, vector<16xf32>
      %add3A_1111 = arith.addf %add3A_1091, %select_n3A_1110 : vector<16xf32>
      %gather3A_1112 = tpu.vector_load_idx %arg7[%add3A_1103] : memref<2048xf32, #tpu.memory_space<vmem>>[vector<16xi32>], vector<16xf32>,
      %select_n3A_1113 = arith.select %lt3A_1107, %gather3A_1112, %broadcast_in_dim3A_121 : vector<16xi1>, vector<16xf32>
      %add3A_1114 = arith.addf %add3A_1094, %select_n3A_1113 : vector<16xf32>
      %gather3A_1115 = tpu.vector_load_idx %arg8[%add3A_1106] : memref<2048xf32, #tpu.memory_space<vmem>>[vector<16xi32>], vector<16xf32>,
      %select_n3A_1116 = arith.select %lt3A_1108, %gather3A_1115, %broadcast_in_dim3A_121 : vector<16xi1>, vector<16xf32>
      %add3A_1117 = arith.addf %add3A_1097, %select_n3A_1116 : vector<16xf32>
      %gather3A_1118 = tpu.vector_load_idx %arg9[%add3A_1106] : memref<2048xf32, #tpu.memory_space<vmem>>[vector<16xi32>], vector<16xf32>,
      %select_n3A_1119 = arith.select %lt3A_1108, %gather3A_1118, %broadcast_in_dim3A_121 : vector<16xi1>, vector<16xf32>
      %add3A_1120 = arith.addf %add3A_1100, %select_n3A_1119 : vector<16xf32>
      %add3A_1121 = arith.constant 50 : i32
      %add3A_1122 = vector.broadcast %add3A_1121 : i32 to vector<16xi32>
      %add3A_1123 = arith.addi %get3A_104, %add3A_1122 : vector<16xi32>
      %add3A_1124 = arith.constant 50 : i32
      %add3A_1125 = vector.broadcast %add3A_1124 : i32 to vector<16xi32>
      %add3A_1126 = arith.addi %get3A_108, %add3A_1125 : vector<16xi32>
      %lt3A_1127 = arith.cmpi slt, %add3A_1123, %get3A_106 : vector<16xi32>
      %lt3A_1128 = arith.cmpi slt, %add3A_1126, %get3A_110 : vector<16xi32>
      %gather3A_1129 = tpu.vector_load_idx %arg6[%add3A_1123] : memref<2048xf32, #tpu.memory_space<vmem>>[vector<16xi32>], vector<16xf32>,
      %select_n3A_1130 = arith.select %lt3A_1127, %gather3A_1129, %broadcast_in_dim3A_121 : vector<16xi1>, vector<16xf32>
      %add3A_1131 = arith.addf %add3A_1111, %select_n3A_1130 : vector<16xf32>
      %gather3A_1132 = tpu.vector_load_idx %arg7[%add3A_1123] : memref<2048xf32, #tpu.memory_space<vmem>>[vector<16xi32>], vector<16xf32>,
      %select_n3A_1133 = arith.select %lt3A_1127, %gather3A_1132, %broadcast_in_dim3A_121 : vector<16xi1>, vector<16xf32>
      %add3A_1134 = arith.addf %add3A_1114, %select_n3A_1133 : vector<16xf32>
      %gather3A_1135 = tpu.vector_load_idx %arg8[%add3A_1126] : memref<2048xf32, #tpu.memory_space<vmem>>[vector<16xi32>], vector<16xf32>,
      %select_n3A_1136 = arith.select %lt3A_1128, %gather3A_1135, %broadcast_in_dim3A_121 : vector<16xi1>, vector<16xf32>
      %add3A_1137 = arith.addf %add3A_1117, %select_n3A_1136 : vector<16xf32>
      %gather3A_1138 = tpu.vector_load_idx %arg9[%add3A_1126] : memref<2048xf32, #tpu.memory_space<vmem>>[vector<16xi32>], vector<16xf32>,
      %select_n3A_1139 = arith.select %lt3A_1128, %gather3A_1138, %broadcast_in_dim3A_121 : vector<16xi1>, vector<16xf32>
      %add3A_1140 = arith.addf %add3A_1120, %select_n3A_1139 : vector<16xf32>
      %add3A_1141 = arith.constant 51 : i32
      %add3A_1142 = vector.broadcast %add3A_1141 : i32 to vector<16xi32>
      %add3A_1143 = arith.addi %get3A_104, %add3A_1142 : vector<16xi32>
      %add3A_1144 = arith.constant 51 : i32
      %add3A_1145 = vector.broadcast %add3A_1144 : i32 to vector<16xi32>
      %add3A_1146 = arith.addi %get3A_108, %add3A_1145 : vector<16xi32>
      %lt3A_1147 = arith.cmpi slt, %add3A_1143, %get3A_106 : vector<16xi32>
      %lt3A_1148 = arith.cmpi slt, %add3A_1146, %get3A_110 : vector<16xi32>
      %gather3A_1149 = tpu.vector_load_idx %arg6[%add3A_1143] : memref<2048xf32, #tpu.memory_space<vmem>>[vector<16xi32>], vector<16xf32>,
      %select_n3A_1150 = arith.select %lt3A_1147, %gather3A_1149, %broadcast_in_dim3A_121 : vector<16xi1>, vector<16xf32>
      %add3A_1151 = arith.addf %add3A_1131, %select_n3A_1150 : vector<16xf32>
      %gather3A_1152 = tpu.vector_load_idx %arg7[%add3A_1143] : memref<2048xf32, #tpu.memory_space<vmem>>[vector<16xi32>], vector<16xf32>,
      %select_n3A_1153 = arith.select %lt3A_1147, %gather3A_1152, %broadcast_in_dim3A_121 : vector<16xi1>, vector<16xf32>
      %add3A_1154 = arith.addf %add3A_1134, %select_n3A_1153 : vector<16xf32>
      %gather3A_1155 = tpu.vector_load_idx %arg8[%add3A_1146] : memref<2048xf32, #tpu.memory_space<vmem>>[vector<16xi32>], vector<16xf32>,
      %select_n3A_1156 = arith.select %lt3A_1148, %gather3A_1155, %broadcast_in_dim3A_121 : vector<16xi1>, vector<16xf32>
      %add3A_1157 = arith.addf %add3A_1137, %select_n3A_1156 : vector<16xf32>
      %gather3A_1158 = tpu.vector_load_idx %arg9[%add3A_1146] : memref<2048xf32, #tpu.memory_space<vmem>>[vector<16xi32>], vector<16xf32>,
      %select_n3A_1159 = arith.select %lt3A_1148, %gather3A_1158, %broadcast_in_dim3A_121 : vector<16xi1>, vector<16xf32>
      %add3A_1160 = arith.addf %add3A_1140, %select_n3A_1159 : vector<16xf32>
      %add3A_1161 = arith.constant 52 : i32
      %add3A_1162 = vector.broadcast %add3A_1161 : i32 to vector<16xi32>
      %add3A_1163 = arith.addi %get3A_104, %add3A_1162 : vector<16xi32>
      %add3A_1164 = arith.constant 52 : i32
      %add3A_1165 = vector.broadcast %add3A_1164 : i32 to vector<16xi32>
      %add3A_1166 = arith.addi %get3A_108, %add3A_1165 : vector<16xi32>
      %lt3A_1167 = arith.cmpi slt, %add3A_1163, %get3A_106 : vector<16xi32>
      %lt3A_1168 = arith.cmpi slt, %add3A_1166, %get3A_110 : vector<16xi32>
      %gather3A_1169 = tpu.vector_load_idx %arg6[%add3A_1163] : memref<2048xf32, #tpu.memory_space<vmem>>[vector<16xi32>], vector<16xf32>,
      %select_n3A_1170 = arith.select %lt3A_1167, %gather3A_1169, %broadcast_in_dim3A_121 : vector<16xi1>, vector<16xf32>
      %add3A_1171 = arith.addf %add3A_1151, %select_n3A_1170 : vector<16xf32>
      %gather3A_1172 = tpu.vector_load_idx %arg7[%add3A_1163] : memref<2048xf32, #tpu.memory_space<vmem>>[vector<16xi32>], vector<16xf32>,
      %select_n3A_1173 = arith.select %lt3A_1167, %gather3A_1172, %broadcast_in_dim3A_121 : vector<16xi1>, vector<16xf32>
      %add3A_1174 = arith.addf %add3A_1154, %select_n3A_1173 : vector<16xf32>
      %gather3A_1175 = tpu.vector_load_idx %arg8[%add3A_1166] : memref<2048xf32, #tpu.memory_space<vmem>>[vector<16xi32>], vector<16xf32>,
      %select_n3A_1176 = arith.select %lt3A_1168, %gather3A_1175, %broadcast_in_dim3A_121 : vector<16xi1>, vector<16xf32>
      %add3A_1177 = arith.addf %add3A_1157, %select_n3A_1176 : vector<16xf32>
      %gather3A_1178 = tpu.vector_load_idx %arg9[%add3A_1166] : memref<2048xf32, #tpu.memory_space<vmem>>[vector<16xi32>], vector<16xf32>,
      %select_n3A_1179 = arith.select %lt3A_1168, %gather3A_1178, %broadcast_in_dim3A_121 : vector<16xi1>, vector<16xf32>
      %add3A_1180 = arith.addf %add3A_1160, %select_n3A_1179 : vector<16xf32>
      %add3A_1181 = arith.constant 53 : i32
      %add3A_1182 = vector.broadcast %add3A_1181 : i32 to vector<16xi32>
      %add3A_1183 = arith.addi %get3A_104, %add3A_1182 : vector<16xi32>
      %add3A_1184 = arith.constant 53 : i32
      %add3A_1185 = vector.broadcast %add3A_1184 : i32 to vector<16xi32>
      %add3A_1186 = arith.addi %get3A_108, %add3A_1185 : vector<16xi32>
      %lt3A_1187 = arith.cmpi slt, %add3A_1183, %get3A_106 : vector<16xi32>
      %lt3A_1188 = arith.cmpi slt, %add3A_1186, %get3A_110 : vector<16xi32>
      %gather3A_1189 = tpu.vector_load_idx %arg6[%add3A_1183] : memref<2048xf32, #tpu.memory_space<vmem>>[vector<16xi32>], vector<16xf32>,
      %select_n3A_1190 = arith.select %lt3A_1187, %gather3A_1189, %broadcast_in_dim3A_121 : vector<16xi1>, vector<16xf32>
      %add3A_1191 = arith.addf %add3A_1171, %select_n3A_1190 : vector<16xf32>
      %gather3A_1192 = tpu.vector_load_idx %arg7[%add3A_1183] : memref<2048xf32, #tpu.memory_space<vmem>>[vector<16xi32>], vector<16xf32>,
      %select_n3A_1193 = arith.select %lt3A_1187, %gather3A_1192, %broadcast_in_dim3A_121 : vector<16xi1>, vector<16xf32>
      %add3A_1194 = arith.addf %add3A_1174, %select_n3A_1193 : vector<16xf32>
      %gather3A_1195 = tpu.vector_load_idx %arg8[%add3A_1186] : memref<2048xf32, #tpu.memory_space<vmem>>[vector<16xi32>], vector<16xf32>,
      %select_n3A_1196 = arith.select %lt3A_1188, %gather3A_1195, %broadcast_in_dim3A_121 : vector<16xi1>, vector<16xf32>
      %add3A_1197 = arith.addf %add3A_1177, %select_n3A_1196 : vector<16xf32>
      %gather3A_1198 = tpu.vector_load_idx %arg9[%add3A_1186] : memref<2048xf32, #tpu.memory_space<vmem>>[vector<16xi32>], vector<16xf32>,
      %select_n3A_1199 = arith.select %lt3A_1188, %gather3A_1198, %broadcast_in_dim3A_121 : vector<16xi1>, vector<16xf32>
      %add3A_1200 = arith.addf %add3A_1180, %select_n3A_1199 : vector<16xf32>
      %add3A_1201 = arith.constant 54 : i32
      %add3A_1202 = vector.broadcast %add3A_1201 : i32 to vector<16xi32>
      %add3A_1203 = arith.addi %get3A_104, %add3A_1202 : vector<16xi32>
      %add3A_1204 = arith.constant 54 : i32
      %add3A_1205 = vector.broadcast %add3A_1204 : i32 to vector<16xi32>
      %add3A_1206 = arith.addi %get3A_108, %add3A_1205 : vector<16xi32>
      %lt3A_1207 = arith.cmpi slt, %add3A_1203, %get3A_106 : vector<16xi32>
      %lt3A_1208 = arith.cmpi slt, %add3A_1206, %get3A_110 : vector<16xi32>
      %gather3A_1209 = tpu.vector_load_idx %arg6[%add3A_1203] : memref<2048xf32, #tpu.memory_space<vmem>>[vector<16xi32>], vector<16xf32>,
      %select_n3A_1210 = arith.select %lt3A_1207, %gather3A_1209, %broadcast_in_dim3A_121 : vector<16xi1>, vector<16xf32>
      %add3A_1211 = arith.addf %add3A_1191, %select_n3A_1210 : vector<16xf32>
      %gather3A_1212 = tpu.vector_load_idx %arg7[%add3A_1203] : memref<2048xf32, #tpu.memory_space<vmem>>[vector<16xi32>], vector<16xf32>,
      %select_n3A_1213 = arith.select %lt3A_1207, %gather3A_1212, %broadcast_in_dim3A_121 : vector<16xi1>, vector<16xf32>
      %add3A_1214 = arith.addf %add3A_1194, %select_n3A_1213 : vector<16xf32>
      %gather3A_1215 = tpu.vector_load_idx %arg8[%add3A_1206] : memref<2048xf32, #tpu.memory_space<vmem>>[vector<16xi32>], vector<16xf32>,
      %select_n3A_1216 = arith.select %lt3A_1208, %gather3A_1215, %broadcast_in_dim3A_121 : vector<16xi1>, vector<16xf32>
      %add3A_1217 = arith.addf %add3A_1197, %select_n3A_1216 : vector<16xf32>
      %gather3A_1218 = tpu.vector_load_idx %arg9[%add3A_1206] : memref<2048xf32, #tpu.memory_space<vmem>>[vector<16xi32>], vector<16xf32>,
      %select_n3A_1219 = arith.select %lt3A_1208, %gather3A_1218, %broadcast_in_dim3A_121 : vector<16xi1>, vector<16xf32>
      %add3A_1220 = arith.addf %add3A_1200, %select_n3A_1219 : vector<16xf32>
      %add3A_1221 = arith.constant 55 : i32
      %add3A_1222 = vector.broadcast %add3A_1221 : i32 to vector<16xi32>
      %add3A_1223 = arith.addi %get3A_104, %add3A_1222 : vector<16xi32>
      %add3A_1224 = arith.constant 55 : i32
      %add3A_1225 = vector.broadcast %add3A_1224 : i32 to vector<16xi32>
      %add3A_1226 = arith.addi %get3A_108, %add3A_1225 : vector<16xi32>
      %lt3A_1227 = arith.cmpi slt, %add3A_1223, %get3A_106 : vector<16xi32>
      %lt3A_1228 = arith.cmpi slt, %add3A_1226, %get3A_110 : vector<16xi32>
      %gather3A_1229 = tpu.vector_load_idx %arg6[%add3A_1223] : memref<2048xf32, #tpu.memory_space<vmem>>[vector<16xi32>], vector<16xf32>,
      %select_n3A_1230 = arith.select %lt3A_1227, %gather3A_1229, %broadcast_in_dim3A_121 : vector<16xi1>, vector<16xf32>
      %add3A_1231 = arith.addf %add3A_1211, %select_n3A_1230 : vector<16xf32>
      %gather3A_1232 = tpu.vector_load_idx %arg7[%add3A_1223] : memref<2048xf32, #tpu.memory_space<vmem>>[vector<16xi32>], vector<16xf32>,
      %select_n3A_1233 = arith.select %lt3A_1227, %gather3A_1232, %broadcast_in_dim3A_121 : vector<16xi1>, vector<16xf32>
      %add3A_1234 = arith.addf %add3A_1214, %select_n3A_1233 : vector<16xf32>
      %gather3A_1235 = tpu.vector_load_idx %arg8[%add3A_1226] : memref<2048xf32, #tpu.memory_space<vmem>>[vector<16xi32>], vector<16xf32>,
      %select_n3A_1236 = arith.select %lt3A_1228, %gather3A_1235, %broadcast_in_dim3A_121 : vector<16xi1>, vector<16xf32>
      %add3A_1237 = arith.addf %add3A_1217, %select_n3A_1236 : vector<16xf32>
      %gather3A_1238 = tpu.vector_load_idx %arg9[%add3A_1226] : memref<2048xf32, #tpu.memory_space<vmem>>[vector<16xi32>], vector<16xf32>,
      %select_n3A_1239 = arith.select %lt3A_1228, %gather3A_1238, %broadcast_in_dim3A_121 : vector<16xi1>, vector<16xf32>
      %add3A_1240 = arith.addf %add3A_1220, %select_n3A_1239 : vector<16xf32>
      %add3A_1241 = arith.constant 56 : i32
      %add3A_1242 = vector.broadcast %add3A_1241 : i32 to vector<16xi32>
      %add3A_1243 = arith.addi %get3A_104, %add3A_1242 : vector<16xi32>
      %add3A_1244 = arith.constant 56 : i32
      %add3A_1245 = vector.broadcast %add3A_1244 : i32 to vector<16xi32>
      %add3A_1246 = arith.addi %get3A_108, %add3A_1245 : vector<16xi32>
      %lt3A_1247 = arith.cmpi slt, %add3A_1243, %get3A_106 : vector<16xi32>
      %lt3A_1248 = arith.cmpi slt, %add3A_1246, %get3A_110 : vector<16xi32>
      %gather3A_1249 = tpu.vector_load_idx %arg6[%add3A_1243] : memref<2048xf32, #tpu.memory_space<vmem>>[vector<16xi32>], vector<16xf32>,
      %select_n3A_1250 = arith.select %lt3A_1247, %gather3A_1249, %broadcast_in_dim3A_121 : vector<16xi1>, vector<16xf32>
      %add3A_1251 = arith.addf %add3A_1231, %select_n3A_1250 : vector<16xf32>
      %gather3A_1252 = tpu.vector_load_idx %arg7[%add3A_1243] : memref<2048xf32, #tpu.memory_space<vmem>>[vector<16xi32>], vector<16xf32>,
      %select_n3A_1253 = arith.select %lt3A_1247, %gather3A_1252, %broadcast_in_dim3A_121 : vector<16xi1>, vector<16xf32>
      %add3A_1254 = arith.addf %add3A_1234, %select_n3A_1253 : vector<16xf32>
      %gather3A_1255 = tpu.vector_load_idx %arg8[%add3A_1246] : memref<2048xf32, #tpu.memory_space<vmem>>[vector<16xi32>], vector<16xf32>,
      %select_n3A_1256 = arith.select %lt3A_1248, %gather3A_1255, %broadcast_in_dim3A_121 : vector<16xi1>, vector<16xf32>
      %add3A_1257 = arith.addf %add3A_1237, %select_n3A_1256 : vector<16xf32>
      %gather3A_1258 = tpu.vector_load_idx %arg9[%add3A_1246] : memref<2048xf32, #tpu.memory_space<vmem>>[vector<16xi32>], vector<16xf32>,
      %select_n3A_1259 = arith.select %lt3A_1248, %gather3A_1258, %broadcast_in_dim3A_121 : vector<16xi1>, vector<16xf32>
      %add3A_1260 = arith.addf %add3A_1240, %select_n3A_1259 : vector<16xf32>
      %add3A_1261 = arith.constant 57 : i32
      %add3A_1262 = vector.broadcast %add3A_1261 : i32 to vector<16xi32>
      %add3A_1263 = arith.addi %get3A_104, %add3A_1262 : vector<16xi32>
      %add3A_1264 = arith.constant 57 : i32
      %add3A_1265 = vector.broadcast %add3A_1264 : i32 to vector<16xi32>
      %add3A_1266 = arith.addi %get3A_108, %add3A_1265 : vector<16xi32>
      %lt3A_1267 = arith.cmpi slt, %add3A_1263, %get3A_106 : vector<16xi32>
      %lt3A_1268 = arith.cmpi slt, %add3A_1266, %get3A_110 : vector<16xi32>
      %gather3A_1269 = tpu.vector_load_idx %arg6[%add3A_1263] : memref<2048xf32, #tpu.memory_space<vmem>>[vector<16xi32>], vector<16xf32>,
      %select_n3A_1270 = arith.select %lt3A_1267, %gather3A_1269, %broadcast_in_dim3A_121 : vector<16xi1>, vector<16xf32>
      %add3A_1271 = arith.addf %add3A_1251, %select_n3A_1270 : vector<16xf32>
      %gather3A_1272 = tpu.vector_load_idx %arg7[%add3A_1263] : memref<2048xf32, #tpu.memory_space<vmem>>[vector<16xi32>], vector<16xf32>,
      %select_n3A_1273 = arith.select %lt3A_1267, %gather3A_1272, %broadcast_in_dim3A_121 : vector<16xi1>, vector<16xf32>
      %add3A_1274 = arith.addf %add3A_1254, %select_n3A_1273 : vector<16xf32>
      %gather3A_1275 = tpu.vector_load_idx %arg8[%add3A_1266] : memref<2048xf32, #tpu.memory_space<vmem>>[vector<16xi32>], vector<16xf32>,
      %select_n3A_1276 = arith.select %lt3A_1268, %gather3A_1275, %broadcast_in_dim3A_121 : vector<16xi1>, vector<16xf32>
      %add3A_1277 = arith.addf %add3A_1257, %select_n3A_1276 : vector<16xf32>
      %gather3A_1278 = tpu.vector_load_idx %arg9[%add3A_1266] : memref<2048xf32, #tpu.memory_space<vmem>>[vector<16xi32>], vector<16xf32>,
      %select_n3A_1279 = arith.select %lt3A_1268, %gather3A_1278, %broadcast_in_dim3A_121 : vector<16xi1>, vector<16xf32>
      %add3A_1280 = arith.addf %add3A_1260, %select_n3A_1279 : vector<16xf32>
      %add3A_1281 = arith.constant 58 : i32
      %add3A_1282 = vector.broadcast %add3A_1281 : i32 to vector<16xi32>
      %add3A_1283 = arith.addi %get3A_104, %add3A_1282 : vector<16xi32>
      %add3A_1284 = arith.constant 58 : i32
      %add3A_1285 = vector.broadcast %add3A_1284 : i32 to vector<16xi32>
      %add3A_1286 = arith.addi %get3A_108, %add3A_1285 : vector<16xi32>
      %lt3A_1287 = arith.cmpi slt, %add3A_1283, %get3A_106 : vector<16xi32>
      %lt3A_1288 = arith.cmpi slt, %add3A_1286, %get3A_110 : vector<16xi32>
      %gather3A_1289 = tpu.vector_load_idx %arg6[%add3A_1283] : memref<2048xf32, #tpu.memory_space<vmem>>[vector<16xi32>], vector<16xf32>,
      %select_n3A_1290 = arith.select %lt3A_1287, %gather3A_1289, %broadcast_in_dim3A_121 : vector<16xi1>, vector<16xf32>
      %add3A_1291 = arith.addf %add3A_1271, %select_n3A_1290 : vector<16xf32>
      %gather3A_1292 = tpu.vector_load_idx %arg7[%add3A_1283] : memref<2048xf32, #tpu.memory_space<vmem>>[vector<16xi32>], vector<16xf32>,
      %select_n3A_1293 = arith.select %lt3A_1287, %gather3A_1292, %broadcast_in_dim3A_121 : vector<16xi1>, vector<16xf32>
      %add3A_1294 = arith.addf %add3A_1274, %select_n3A_1293 : vector<16xf32>
      %gather3A_1295 = tpu.vector_load_idx %arg8[%add3A_1286] : memref<2048xf32, #tpu.memory_space<vmem>>[vector<16xi32>], vector<16xf32>,
      %select_n3A_1296 = arith.select %lt3A_1288, %gather3A_1295, %broadcast_in_dim3A_121 : vector<16xi1>, vector<16xf32>
      %add3A_1297 = arith.addf %add3A_1277, %select_n3A_1296 : vector<16xf32>
      %gather3A_1298 = tpu.vector_load_idx %arg9[%add3A_1286] : memref<2048xf32, #tpu.memory_space<vmem>>[vector<16xi32>], vector<16xf32>,
      %select_n3A_1299 = arith.select %lt3A_1288, %gather3A_1298, %broadcast_in_dim3A_121 : vector<16xi1>, vector<16xf32>
      %add3A_1300 = arith.addf %add3A_1280, %select_n3A_1299 : vector<16xf32>
      %add3A_1301 = arith.constant 59 : i32
      %add3A_1302 = vector.broadcast %add3A_1301 : i32 to vector<16xi32>
      %add3A_1303 = arith.addi %get3A_104, %add3A_1302 : vector<16xi32>
      %add3A_1304 = arith.constant 59 : i32
      %add3A_1305 = vector.broadcast %add3A_1304 : i32 to vector<16xi32>
      %add3A_1306 = arith.addi %get3A_108, %add3A_1305 : vector<16xi32>
      %lt3A_1307 = arith.cmpi slt, %add3A_1303, %get3A_106 : vector<16xi32>
      %lt3A_1308 = arith.cmpi slt, %add3A_1306, %get3A_110 : vector<16xi32>
      %gather3A_1309 = tpu.vector_load_idx %arg6[%add3A_1303] : memref<2048xf32, #tpu.memory_space<vmem>>[vector<16xi32>], vector<16xf32>,
      %select_n3A_1310 = arith.select %lt3A_1307, %gather3A_1309, %broadcast_in_dim3A_121 : vector<16xi1>, vector<16xf32>
      %add3A_1311 = arith.addf %add3A_1291, %select_n3A_1310 : vector<16xf32>
      %gather3A_1312 = tpu.vector_load_idx %arg7[%add3A_1303] : memref<2048xf32, #tpu.memory_space<vmem>>[vector<16xi32>], vector<16xf32>,
      %select_n3A_1313 = arith.select %lt3A_1307, %gather3A_1312, %broadcast_in_dim3A_121 : vector<16xi1>, vector<16xf32>
      %add3A_1314 = arith.addf %add3A_1294, %select_n3A_1313 : vector<16xf32>
      %gather3A_1315 = tpu.vector_load_idx %arg8[%add3A_1306] : memref<2048xf32, #tpu.memory_space<vmem>>[vector<16xi32>], vector<16xf32>,
      %select_n3A_1316 = arith.select %lt3A_1308, %gather3A_1315, %broadcast_in_dim3A_121 : vector<16xi1>, vector<16xf32>
      %add3A_1317 = arith.addf %add3A_1297, %select_n3A_1316 : vector<16xf32>
      %gather3A_1318 = tpu.vector_load_idx %arg9[%add3A_1306] : memref<2048xf32, #tpu.memory_space<vmem>>[vector<16xi32>], vector<16xf32>,
      %select_n3A_1319 = arith.select %lt3A_1308, %gather3A_1318, %broadcast_in_dim3A_121 : vector<16xi1>, vector<16xf32>
      %add3A_1320 = arith.addf %add3A_1300, %select_n3A_1319 : vector<16xf32>
      %add3A_1321 = arith.constant 60 : i32
      %add3A_1322 = vector.broadcast %add3A_1321 : i32 to vector<16xi32>
      %add3A_1323 = arith.addi %get3A_104, %add3A_1322 : vector<16xi32>
      %add3A_1324 = arith.constant 60 : i32
      %add3A_1325 = vector.broadcast %add3A_1324 : i32 to vector<16xi32>
      %add3A_1326 = arith.addi %get3A_108, %add3A_1325 : vector<16xi32>
      %lt3A_1327 = arith.cmpi slt, %add3A_1323, %get3A_106 : vector<16xi32>
      %lt3A_1328 = arith.cmpi slt, %add3A_1326, %get3A_110 : vector<16xi32>
      %gather3A_1329 = tpu.vector_load_idx %arg6[%add3A_1323] : memref<2048xf32, #tpu.memory_space<vmem>>[vector<16xi32>], vector<16xf32>,
      %select_n3A_1330 = arith.select %lt3A_1327, %gather3A_1329, %broadcast_in_dim3A_121 : vector<16xi1>, vector<16xf32>
      %add3A_1331 = arith.addf %add3A_1311, %select_n3A_1330 : vector<16xf32>
      %gather3A_1332 = tpu.vector_load_idx %arg7[%add3A_1323] : memref<2048xf32, #tpu.memory_space<vmem>>[vector<16xi32>], vector<16xf32>,
      %select_n3A_1333 = arith.select %lt3A_1327, %gather3A_1332, %broadcast_in_dim3A_121 : vector<16xi1>, vector<16xf32>
      %add3A_1334 = arith.addf %add3A_1314, %select_n3A_1333 : vector<16xf32>
      %gather3A_1335 = tpu.vector_load_idx %arg8[%add3A_1326] : memref<2048xf32, #tpu.memory_space<vmem>>[vector<16xi32>], vector<16xf32>,
      %select_n3A_1336 = arith.select %lt3A_1328, %gather3A_1335, %broadcast_in_dim3A_121 : vector<16xi1>, vector<16xf32>
      %add3A_1337 = arith.addf %add3A_1317, %select_n3A_1336 : vector<16xf32>
      %gather3A_1338 = tpu.vector_load_idx %arg9[%add3A_1326] : memref<2048xf32, #tpu.memory_space<vmem>>[vector<16xi32>], vector<16xf32>,
      %select_n3A_1339 = arith.select %lt3A_1328, %gather3A_1338, %broadcast_in_dim3A_121 : vector<16xi1>, vector<16xf32>
      %add3A_1340 = arith.addf %add3A_1320, %select_n3A_1339 : vector<16xf32>
      %add3A_1341 = arith.constant 61 : i32
      %add3A_1342 = vector.broadcast %add3A_1341 : i32 to vector<16xi32>
      %add3A_1343 = arith.addi %get3A_104, %add3A_1342 : vector<16xi32>
      %add3A_1344 = arith.constant 61 : i32
      %add3A_1345 = vector.broadcast %add3A_1344 : i32 to vector<16xi32>
      %add3A_1346 = arith.addi %get3A_108, %add3A_1345 : vector<16xi32>
      %lt3A_1347 = arith.cmpi slt, %add3A_1343, %get3A_106 : vector<16xi32>
      %lt3A_1348 = arith.cmpi slt, %add3A_1346, %get3A_110 : vector<16xi32>
      %gather3A_1349 = tpu.vector_load_idx %arg6[%add3A_1343] : memref<2048xf32, #tpu.memory_space<vmem>>[vector<16xi32>], vector<16xf32>,
      %select_n3A_1350 = arith.select %lt3A_1347, %gather3A_1349, %broadcast_in_dim3A_121 : vector<16xi1>, vector<16xf32>
      %add3A_1351 = arith.addf %add3A_1331, %select_n3A_1350 : vector<16xf32>
      %gather3A_1352 = tpu.vector_load_idx %arg7[%add3A_1343] : memref<2048xf32, #tpu.memory_space<vmem>>[vector<16xi32>], vector<16xf32>,
      %select_n3A_1353 = arith.select %lt3A_1347, %gather3A_1352, %broadcast_in_dim3A_121 : vector<16xi1>, vector<16xf32>
      %add3A_1354 = arith.addf %add3A_1334, %select_n3A_1353 : vector<16xf32>
      %gather3A_1355 = tpu.vector_load_idx %arg8[%add3A_1346] : memref<2048xf32, #tpu.memory_space<vmem>>[vector<16xi32>], vector<16xf32>,
      %select_n3A_1356 = arith.select %lt3A_1348, %gather3A_1355, %broadcast_in_dim3A_121 : vector<16xi1>, vector<16xf32>
      %add3A_1357 = arith.addf %add3A_1337, %select_n3A_1356 : vector<16xf32>
      %gather3A_1358 = tpu.vector_load_idx %arg9[%add3A_1346] : memref<2048xf32, #tpu.memory_space<vmem>>[vector<16xi32>], vector<16xf32>,
      %select_n3A_1359 = arith.select %lt3A_1348, %gather3A_1358, %broadcast_in_dim3A_121 : vector<16xi1>, vector<16xf32>
      %add3A_1360 = arith.addf %add3A_1340, %select_n3A_1359 : vector<16xf32>
      %add3A_1361 = arith.constant 62 : i32
      %add3A_1362 = vector.broadcast %add3A_1361 : i32 to vector<16xi32>
      %add3A_1363 = arith.addi %get3A_104, %add3A_1362 : vector<16xi32>
      %add3A_1364 = arith.constant 62 : i32
      %add3A_1365 = vector.broadcast %add3A_1364 : i32 to vector<16xi32>
      %add3A_1366 = arith.addi %get3A_108, %add3A_1365 : vector<16xi32>
      %lt3A_1367 = arith.cmpi slt, %add3A_1363, %get3A_106 : vector<16xi32>
      %lt3A_1368 = arith.cmpi slt, %add3A_1366, %get3A_110 : vector<16xi32>
      %gather3A_1369 = tpu.vector_load_idx %arg6[%add3A_1363] : memref<2048xf32, #tpu.memory_space<vmem>>[vector<16xi32>], vector<16xf32>,
      %select_n3A_1370 = arith.select %lt3A_1367, %gather3A_1369, %broadcast_in_dim3A_121 : vector<16xi1>, vector<16xf32>
      %add3A_1371 = arith.addf %add3A_1351, %select_n3A_1370 : vector<16xf32>
      %gather3A_1372 = tpu.vector_load_idx %arg7[%add3A_1363] : memref<2048xf32, #tpu.memory_space<vmem>>[vector<16xi32>], vector<16xf32>,
      %select_n3A_1373 = arith.select %lt3A_1367, %gather3A_1372, %broadcast_in_dim3A_121 : vector<16xi1>, vector<16xf32>
      %add3A_1374 = arith.addf %add3A_1354, %select_n3A_1373 : vector<16xf32>
      %gather3A_1375 = tpu.vector_load_idx %arg8[%add3A_1366] : memref<2048xf32, #tpu.memory_space<vmem>>[vector<16xi32>], vector<16xf32>,
      %select_n3A_1376 = arith.select %lt3A_1368, %gather3A_1375, %broadcast_in_dim3A_121 : vector<16xi1>, vector<16xf32>
      %add3A_1377 = arith.addf %add3A_1357, %select_n3A_1376 : vector<16xf32>
      %gather3A_1378 = tpu.vector_load_idx %arg9[%add3A_1366] : memref<2048xf32, #tpu.memory_space<vmem>>[vector<16xi32>], vector<16xf32>,
      %select_n3A_1379 = arith.select %lt3A_1368, %gather3A_1378, %broadcast_in_dim3A_121 : vector<16xi1>, vector<16xf32>
      %add3A_1380 = arith.addf %add3A_1360, %select_n3A_1379 : vector<16xf32>
      %mul3A_1381 = arith.mulf %add3A_1371, %div3A_115 : vector<16xf32>
      %mul3A_1382 = arith.mulf %add3A_1377, %div3A_120 : vector<16xf32>
      %add3A_1383 = arith.addf %mul3A_1381, %mul3A_1382 : vector<16xf32>
      %get3A_1384 = arith.constant 0 : index
      %get3A_1385 = tpu.vector_load %arg11[%get3A_1384] {strides = array<i32>} : memref<32xf32, #tpu.memory_space<vmem>>, vector<16xf32>,
      %add3A_1386 = arith.addf %add3A_1383, %get3A_1385 : vector<16xf32>
      %mul3A_1387 = arith.mulf %add3A_1374, %div3A_115 : vector<16xf32>
      %mul3A_1388 = arith.mulf %add3A_1380, %div3A_120 : vector<16xf32>
      %add3A_1389 = arith.addf %mul3A_1387, %mul3A_1388 : vector<16xf32>
      %get3A_1390 = arith.constant 16 : index
      %get3A_1391 = tpu.vector_load %arg11[%get3A_1390] {strides = array<i32>} : memref<32xf32, #tpu.memory_space<vmem>>, vector<16xf32>,
      %add3A_1392 = arith.addf %add3A_1389, %get3A_1391 : vector<16xf32>
      %iota3A = tpu.iota {dimensions = array<i32: 0>} : vector<16xi32>
      %mul3A_1393 = arith.constant 2 : i32
      %mul3A_1394 = vector.broadcast %mul3A_1393 : i32 to vector<16xi32>
      %mul3A_1395 = arith.muli %mul3A_1394, %iota3A : vector<16xi32>
      %add3A_1396 = arith.constant 0 : i32
      %add3A_1397 = vector.broadcast %add3A_1396 : i32 to vector<16xi32>
      %add3A_1398 = arith.addi %add3A_1397, %mul3A_1395 : vector<16xi32>
      tpu.vector_store_idx %arg12[%add3A_1398], %add3A_1386 : memref<32xf32, #tpu.memory_space<vmem>>[vector<16xi32>], vector<16xf32>,
      %add3A_1399 = arith.constant 1 : i32
      %add3A_1400 = vector.broadcast %add3A_1399 : i32 to vector<16xi32>
      %add3A_1401 = arith.addi %add3A_1398, %add3A_1400 : vector<16xi32>
      tpu.vector_store_idx %arg12[%add3A_1401], %add3A_1392 : memref<32xf32, #tpu.memory_space<vmem>>[vector<16xi32>], vector<16xf32>,
      %mul3A_1402 = arith.constant 2 : i32
      %mul3A_1403 = arith.muli %select_n3A_37, %mul3A_1402 : i32
      %mul3A_1404 = arith.constant 16 : i32
      %mul3A_1405 = arith.muli %mul3A_1403, %mul3A_1404 : i32
      "tpu.region"() ({
        %run_scoped3A = tpu.sem_alloc : memref<!tpu.dma_semaphore, #tpu.memory_space<semaphore_mem>>
        %dma_start3A_1406 = tpu.memref_slice %arg5[%select_n3A, %mul3A_1405] : memref<8x128xf32, #tpu.memory_space<hbm>> -> memref<1x32xf32, #tpu.memory_space<hbm>>
        %dma_start3A_1407 = tpu.memref_squeeze %dma_start3A_1406 : memref<1x32xf32, #tpu.memory_space<hbm>> -> memref<32xf32, #tpu.memory_space<hbm>>
        %dma_start3A_1408 = tpu.memref_slice %arg5[%select_n3A, %mul3A_1405] : memref<8x128xf32, #tpu.memory_space<hbm>> -> memref<1x32xf32, #tpu.memory_space<hbm>>
        %dma_start3A_1409 = tpu.memref_squeeze %dma_start3A_1408 : memref<1x32xf32, #tpu.memory_space<hbm>> -> memref<32xf32, #tpu.memory_space<hbm>>
        tpu.enqueue_dma source(%arg12 : memref<32xf32, #tpu.memory_space<vmem>>) target(%dma_start3A_1409 : memref<32xf32, #tpu.memory_space<hbm>>) target_semaphore(%run_scoped3A : memref<!tpu.dma_semaphore, #tpu.memory_space<semaphore_mem>>)
        %dma_wait3A_1410 = tpu.memref_slice %arg5[%select_n3A, %mul3A_1405] : memref<8x128xf32, #tpu.memory_space<hbm>> -> memref<1x32xf32, #tpu.memory_space<hbm>>
        %dma_wait3A_1411 = tpu.memref_squeeze %dma_wait3A_1410 : memref<1x32xf32, #tpu.memory_space<hbm>> -> memref<32xf32, #tpu.memory_space<hbm>>
        %dma_wait3A_1412 = tpu.memref_slice %arg5[%select_n3A, %mul3A_1405] : memref<8x128xf32, #tpu.memory_space<hbm>> -> memref<1x32xf32, #tpu.memory_space<hbm>>
        %dma_wait3A_1413 = tpu.memref_squeeze %dma_wait3A_1412 : memref<1x32xf32, #tpu.memory_space<hbm>> -> memref<32xf32, #tpu.memory_space<hbm>>
        tpu.wait_dma2 semaphore(%run_scoped3A : memref<!tpu.dma_semaphore, #tpu.memory_space<semaphore_mem>>) src(%arg12 : memref<32xf32, #tpu.memory_space<vmem>>) dst(%dma_wait3A_1413 : memref<32xf32, #tpu.memory_space<hbm>>)
        tpu.yield
      }) : () -> ()
    } else {
    }
    return
  }
}

module attributes {stable_mosaic.version = 14 : i64} {
  func.func @_proj_kernel(%arg0: i32, %arg1: i32, %arg2: memref<1x2048x1024xf32, #tpu.memory_space<vmem>>, %arg3: memref<1024x4xf32, #tpu.memory_space<vmem>>, %arg4: memref<1x4x2048xf32, #tpu.memory_space<vmem>>) attributes {dimension_semantics = [#tpu.dimension_semantics<arbitrary>, #tpu.dimension_semantics<arbitrary>], iteration_bounds = array<i64: 8, 1>, scalar_prefetch = 0 : i64, scratch_operands = 0 : i64, tpu.core_type = #tpu.core_type<tc>, window_params = [{transform_indices = @transform_0, window_bounds = array<i64: 1, 2048, 1024>}, {pipeline_mode = #tpu.pipeline_mode<synchronous>, transform_indices = @transform_1, window_bounds = array<i64: 1024, 4>}, {transform_indices = @transform_2, window_bounds = array<i64: 1, 4, 2048>}]} {
    %get3A = arith.constant 0 : index
    %get3A_0 = arith.constant 0 : index
    %get3A_1 = vector.load %arg3[%get3A, %get3A_0] : memref<1024x4xf32, #tpu.memory_space<vmem>>, vector<1024x4xf32>
    %get3A_2 = arith.constant 0 : index
    %get3A_3 = arith.constant 0 : index
    %get3A_4 = arith.constant 0 : index
    %get3A_5 = vector.load %arg2[%get3A_2, %get3A_3, %get3A_4] : memref<1x2048x1024xf32, #tpu.memory_space<vmem>>, vector<1x2048x1024xf32>
    %get3A_6 = vector.shape_cast %get3A_5 : vector<1x2048x1024xf32> to vector<2048x1024xf32>
    %dot_general3A = arith.constant dense<0.000000e+00> : vector<4x2048xf32>
    %dot_general3A_7 = tpu.matmul %get3A_1, %get3A_6, %dot_general3A {dimension_numbers = #tpu.dot_dimension_numbers<[0], [1], [1], [0], [0, 1, 1, 0], [], []>, transpose_lhs_hint = false} : vector<1024x4xf32>, vector<2048x1024xf32>, vector<4x2048xf32> -> vector<4x2048xf32>
    %swap3A = arith.constant 0 : index
    %swap3A_8 = arith.constant 0 : index
    %swap3A_9 = arith.constant 0 : index
    %swap3A_10 = vector.load %arg4[%swap3A, %swap3A_8, %swap3A_9] : memref<1x4x2048xf32, #tpu.memory_space<vmem>>, vector<1x4x2048xf32>
    %swap3A_11 = vector.shape_cast %swap3A_10 : vector<1x4x2048xf32> to vector<4x2048xf32>
    %swap3A_12 = vector.shape_cast %dot_general3A_7 : vector<4x2048xf32> to vector<1x4x2048xf32>
    tpu.vector_store %arg4[%swap3A, %swap3A_8, %swap3A_9], %swap3A_12 {strides = array<i32>} : memref<1x4x2048xf32, #tpu.memory_space<vmem>>, vector<1x4x2048xf32>,
    return
  }
  func.func @transform_0(%arg0: i32, %arg1: i32) -> (i32, i32, i32) {
    %c0_i32 = arith.constant 0 : i32
    %c0_i32_0 = arith.constant 0 : i32
    return %arg0, %arg1, %c0_i32 : i32, i32, i32
  }
  func.func @transform_1(%arg0: i32, %arg1: i32) -> (i32, i32) {
    %c0_i32 = arith.constant 0 : i32
    %c0_i32_0 = arith.constant 0 : i32
    %c0_i32_1 = arith.constant 0 : i32
    return %c0_i32, %c0_i32_0 : i32, i32
  }
  func.func @transform_2(%arg0: i32, %arg1: i32) -> (i32, i32, i32) {
    %c0_i32 = arith.constant 0 : i32
    %c0_i32_0 = arith.constant 0 : i32
    return %arg0, %c0_i32, %arg1 : i32, i32, i32
  }
}

</mosaic_0001>

<sc_bundles>
// kernel: kernel.4.cloned.1.call-start
scs
__scs_entry_jumppad:
0x0: {  	(pc) =	sbr.rel $0x88, $3  }
0x1: {  	(tag) =	ssettag $0x0;
	lr =	simm.s32 $0x1  }
0x2: {  	[smem:$0x3F9D] =	sst lr;
	_ =	strace $0xD0000000  }
0x3: {  	_ = 	snop  }
0x4: {  	_ = 	snop  }
0x5: {  	_ = 	snop  }
0x6: {  	_ = 	snop  }
0x7: {  	_ = 	snop  }
__scs_overlays_trampoline_lowered:
0x8: {  	[smem:$0x3FAC] =	sst s0  }
0x9: {  	[smem:$0x3FAD] =	sst s1  }
0xa: {  	[smem:$0x3FAE] =	sst s2  }
0xb: {  	[smem:$0x3FAF] =	sst s3  }
0xc: {  	[smem:$0x3FB0] =	sst s4  }
0xd: {  	[smem:$0x3FB1] =	sst s5  }
0xe: {  	[smem:$0x3FB2] =	sst s6  }
0xf: {  	[smem:$0x3FB3] =	sst s7  }
0x10: {  	[smem:$0x3FB4] =	sst s8  }
0x11: {  	[smem:$0x3FB5] =	sst s9;
	s0 =	simm.s32 @!p0 $0x0  }
0x12: {  	s1 =	sld [smem:$0x3F9B];
	s0 =	simm.s32 @p0 $0x1  }
0x13: {  	[smem:$0x3FB6] =	sst s0;
	s0 =	simm.s32 @!p1 $0x0  }
0x14: {  	s2 =	sld [smem:$0x3F9A];
	s0 =	simm.s32 @p1 $0x1  }
0x15: {  	[smem:$0x3FB7] =	sst s0;
	s0 =	simm.s32 @!p2 $0x0  }
0x16: {  	s3 =	sld [smem:$0x3FDB];
	s0 =	simm.s32 @p2 $0x1  }
0x17: {  	s4 =	simm.s32 $0x1BF5;
	[smem:$0x3FB9] =	sst s0  }
0x18: {  	s0 =	sld [smem:$0x3F9C];
	_ =	swait.ge [sflag:s4], $0x0  }
0x19: {  	s7 =	sld [smem:$0x3F9D]  }
0x1a: {  	s8 =	sadd.s32 $0xFFFFE003, lr  }
0x1b: {  	s9 =	sadd.s32 $0xFFFFFEF7, lr;
	s5 =	simm.s32 $0xFFFFFFFF;
	p2 =	slt.u32 s8, $0xFFFFF086  }
0x1c: {  	p1 =	slt.u32 s9, $0xF7A;
	s5 =	simm.s32 @!p2 $0x0  }
0x1d: {  	s5 =	simm.s32 @p1 $0x1;
	p0 =	seq.s32 s7, s2  }
0x1e: {  	s7 =	smul.u32 @!p0 $0xF7A, s2;
	p2 =	seq.s32 @!p0 s5, $0x0  }
0x1f: {  	s9 =	smul.u32 $0xF7A, s1;
	s8 =	simm.s32 @!p0 $0x1BF5;
	p2 =	por !p2, p0  }
0x20: {  	[sflag:s8] =	ssyncset.s32 @!p0 $0xFFFFF086;
	s6 =	sadd.s32 @!p0 s3, s7;
	s7 =	simm.s32 @!p0 $0x108  }
0x21: {  	s3 =	sadd.s32 s3, s9;
	s6 =	sadd.s32 @!p0 $0x88, s6;
	s7 =	simm.s32 @p2 $0x1082  }
0x22: {  	[simem:s7], [sflag:s8] =	dma.local @!p0 [hbm:s6], $0xF7A  }
0x23: {  	s9 =	sor.u32 $0xD0000000, s2;
	s6 =	simm.s32 $0x108;
	_ =	swait.ge @!p0 [sflag:s8], $0x0  }
0x24: {  	s3 =	sadd.s32 $0x88, s3;
	s6 =	simm.s32 @!p1 $0x1082;
	[sflag:s4] =	ssyncset.s32 $0xFFFFF086  }
0x25: {  	[simem:s6], [sflag:s4] =	dma.local [hbm:s3], $0xF7A  }
0x26: {  	[smem:$0x3F9D] =	sst s1;
	(tag) =	ssettag s2;
	_ =	strace s9  }
0x27: {  	s1 =	sld [smem:$0x3FAD]  }
0x28: {  	s2 =	sld [smem:$0x3FAE]  }
0x29: {  	s4 =	sld [smem:$0x3FB0]  }
0x2a: {  	p0 =	seq.s32 s5, $0x0;
	s5 =	sld [smem:$0x3FB1]  }
0x2b: {  	s6 =	sld [smem:$0x3FB2]  }
0x2c: {  	s7 =	sld [smem:$0x3FB3]  }
0x2d: {  	s3 =	simm.s32 $0x108;
	s8 =	sld [smem:$0x3FB4]  }
0x2e: {  	s3 =	simm.s32 @!p0 $0x1082;
	s9 =	sld [smem:$0x3FB5]  }
0x2f: {  	lr =	sadd.s32 s0, s3;
	s0 =	sld [smem:$0x3FAC]  }
0x30: {  	s3 =	sld [smem:$0x3FAF]  }
0x31: {  	[smem:$0x3FB8] =	sst s10  }
0x32: {  	s10 =	sld [smem:$0x3FB6];
	_ =	sdelay $0x3  }
0x33: {  	p0 =	seq.s32 s10, $0x1;
	s10 =	sld [smem:$0x3FB8];
	_ =	sdelay $0x3  }
0x34: {  	[smem:$0x3FB8] =	sst s10  }
0x35: {  	s10 =	sld [smem:$0x3FB7];
	_ =	sdelay $0x3  }
0x36: {  	p1 =	seq.s32 s10, $0x1;
	s10 =	sld [smem:$0x3FB8];
	_ =	sdelay $0x3  }
0x37: {  	[smem:$0x3FB8] =	sst s10  }
0x38: {  	s10 =	sld [smem:$0x3FB9]  }
0x39: {  	_ = 	snop;
	(pc) =	sbr.ind lr, $3  }
0x3a: {  	_ = 	snop  }
0x3b: {  	_ = 	snop  }
0x3c: {  	p2 =	seq.s32 s10, $0x1;
	s10 =	sld [smem:$0x3FB8]  }
0x3d: {  	_ =	shalt  }
0x3e: {  	_ =	shalt  }
0x3f: {  	_ =	shalt  }
0x40: {  	_ =	shalt  }
0x41: {  	_ =	shalt  }
0x42: {  	_ =	shalt  }
0x43: {  	_ =	shalt  }
0x44: {  	_ =	shalt  }
0x45: {  	_ =	shalt  }
0x46: {  	_ =	shalt  }
0x47: {  	_ =	shalt  }
0x48: {  	_ =	shalt  }
0x49: {  	_ =	shalt  }
0x4a: {  	_ =	shalt  }
0x4b: {  	_ =	shalt  }
0x4c: {  	_ =	shalt  }
0x4d: {  	_ =	shalt  }
0x4e: {  	_ =	shalt  }
0x4f: {  	_ =	shalt  }
0x50: {  	_ =	shalt  }
0x51: {  	_ =	shalt  }
0x52: {  	_ =	shalt  }
0x53: {  	_ =	shalt  }
0x54: {  	_ =	shalt  }
0x55: {  	_ =	shalt  }
0x56: {  	_ =	shalt  }
0x57: {  	_ =	shalt  }
0x58: {  	_ =	shalt  }
0x59: {  	_ =	shalt  }
0x5a: {  	_ =	shalt  }
0x5b: {  	_ =	shalt  }
0x5c: {  	_ =	shalt  }
0x5d: {  	_ =	shalt  }
0x5e: {  	_ =	shalt  }
0x5f: {  	_ =	shalt  }
0x60: {  	_ =	shalt  }
0x61: {  	_ =	shalt  }
0x62: {  	_ =	shalt  }
0x63: {  	_ =	shalt  }
0x64: {  	_ =	shalt  }
0x65: {  	_ =	shalt  }
0x66: {  	_ =	shalt  }
0x67: {  	_ =	shalt  }
0x68: {  	_ =	shalt  }
0x69: {  	_ =	shalt  }
0x6a: {  	_ =	shalt  }
0x6b: {  	_ =	shalt  }
0x6c: {  	_ =	shalt  }
0x6d: {  	_ =	shalt  }
0x6e: {  	_ =	shalt  }
0x6f: {  	_ =	shalt  }
0x70: {  	_ =	shalt  }
0x71: {  	_ =	shalt  }
0x72: {  	_ =	shalt  }
0x73: {  	_ =	shalt  }
0x74: {  	_ =	shalt  }
0x75: {  	_ =	shalt  }
0x76: {  	_ =	shalt  }
0x77: {  	_ =	shalt  }
0x78: {  	_ =	shalt  }
0x79: {  	_ =	shalt  }
0x7a: {  	_ =	shalt  }
0x7b: {  	_ =	shalt  }
0x7c: {  	_ =	shalt  }
0x7d: {  	_ =	shalt  }
0x7e: {  	_ =	shalt  }
0x7f: {  	_ =	shalt  }
0x80: {  	_ =	shalt  }
0x81: {  	_ =	shalt  }
0x82: {  	_ =	shalt  }
0x83: {  	_ =	shalt  }
0x84: {  	_ =	shalt  }
0x85: {  	_ =	shalt  }
0x86: {  	_ =	shalt  }
0x87: {  	_ =	shalt  }
.Lfunc_end0:
.L_simem_size_0:
called_computation_lowered:
.L_overlay_start_0:
0x88: {  	s2 =	sld [smem:$0x3FD9]  }
0x89: {  	s3 =	sld [smem:$0x3FFE];
	_ =	sdelay $0x1  }
0x8a: {  	s1 =	srdreg.scid  }
0x8b: {  	s0 =	sand.u32 $0x1, s1  }
0x8c: {  	s14 =	sshll.u32 s0, $0xA;
	s2 =	sadd.s32 s3, s2  }
0x8d: {  	s2 =	sadd.s32 s2, s14  }
0x8e: {  	[smem:$0x3FC4] =	sst s2  }
0x8f: {  	_ = 	snop  }
0x90: {  	s2 =	sld [smem:$0x3FD0];
	_ =	sdelay $0x2  }
0x91: {  	s15 =	simm.s32 $0xA;
	s4 =	simm.s32 $0x10  }
0x92: {  	[smem:s4], [sflag:s15] =	dma.local [hbm:s2], $0x1  }
0x93: {  	_ =	swait.eq [sflag:s15], $0x1  }
0x94: {  	[sflag:s15] =	ssyncset.done $0x0  }
0x95: {  	[sflag:s15] =	ssyncadd.s32 $0xFFFFFFFF  }
0x96: {  	s16 =	sld [smem:$0x10];
	(tm) =	ssettm $0x1  }
0x97: {  	s17 =	sld [smem:$0x3FFB];
	_ =	sdelay $0x3  }
0x98: {  	_ =	strace s17  }
0x99: {  	s3 =	sld [smem:$0x3FFC];
	_ =	sdelay $0x3  }
0x9a: {  	_ =	strace s3  }
0x9b: {  	s3 =	sld [smem:$0x3FFD];
	_ =	sdelay $0x3  }
0x9c: {  	_ =	strace s3  }
0x9d: {  	_ =	strace $0x8FFFFFFF  }
0x9e: {  	s18 =	sld [smem:$0x3FDB];
	_ =	sdelay $0x1  }
0x9f: {  	s19 =	simm.s32 $_scs_section_size  }
0xa0: {  	s5 =	simm.s32 $_size__tile_overlayer_lowered;
	s6 =	simm.s32 $_tile_overlayer_lowered  }
0xa1: {  	s22 =	simm.s32 $0x1BFF;
	s21 =	sshll.u32 s6, $0x1;
	s3 =	sadd.s32 s19, s18  }
0xa2: {  	s7 =	simm.s32 $0x0;
	s20 =	sshll.u32 s5, $0x1;
	s5 =	sadd.s32 s21, s3  }
0xa3: {  	[timem:s7], [sflag:s22] =	dma.local [hbm:s5], s20  }
0xa4: {  	_ =	swait.ge [sflag:s22], s20  }
0xa5: {  	s4 =	ssub.s32 $0x0, s20;
	[sflag:s22] =	ssyncset.done $0x0  }
0xa6: {  	[sflag:s22] =	ssyncadd.s32 s4;
	_ =	sdelay $0x1  }
0xa7: {  	s23 =	simm.s32 $0x1B8B  }
0xa8: {  	_ =	swait.ge [sflag:s23], $0x1  }
0xa9: {  	[sflag:s23] =	ssyncset.done $0x0  }
0xaa: {  	s25 =	simm.s32 $0x1B8E;
	s24 =	sld [smem:$0x3FFE];
	[sflag:s23] =	ssyncadd.s32 $0xFFFFFFFF  }
0xab: {  	s26 =	simm.s32 $execute0_lowered;
	[smem:$0x3FD2] =	sst s25  }
0xac: {  	s5 =	sshll.u32 s26, $0x1;
	_ =	strace $0x80000046;
	[dreg:$0x1] =	wrdreg $0xFFFFFFFF  }
0xad: {  	s28 =	simm.s32 $_size_execute0_lowered;
	s3 =	sadd.s32 s3, s5;
	[dreg:$0x0] =	wrdreg $0x0  }
0xae: {  	s5 =	sshll.u32 s28, $0x1;
	[dreg:$0x2] =	wrdreg s3  }
0xaf: {  	[dreg:$0x3] =	wrdreg s5  }
0xb0: {  	[dreg:$0x4] =	wrdreg $0xC0  }
0xb1: {  	_ =	task [dreg:s7], $0x5FFFF  }
0xb2: {  	[dreg:$0x1] =	wrdreg $0xFFFFFFFF  }
0xb3: {  	[dreg:$0x0] =	wrdreg $0x60  }
0xb4: {  	[dreg:$0x2] =	wrdreg s24  }
0xb5: {  	[dreg:$0x3] =	wrdreg s16  }
0xb6: {  	[dreg:$0x4] =	wrdreg $0x9  }
0xb7: {  	_ =	task.clear_ibuf [dreg:s7], $0x5FFFF;
	_ =	strace $0x90000046  }
0xb8: {  	s29 =	simm.s32 $0x9;
	_ =	strace $0x80000048  }
0xb9: {  	_ =	swait.ge [sflag:s29], $0x1  }
0xba: {  	[sflag:s29] =	ssyncadd.s32 $0xFFFFFFFF  }
0xbb: {  	_ =	strace $0x90000048  }
0xbc: {  	_ =	sfence  }
0xbd: {  	s30 =	sld [smem:$0x0];
	_ =	sdelay $0x2  }
0xbe: {  	s31 =	sshll.u32 s1, $0xD;
	s1 =	sshrl.u32 s1, $0x2  }
0xbf: {  	s3 =	sand.u32 $0x4000, s31;
	s1 =	sadd.s32 s1, s30  }
0xc0: {  	s0 =	sor.u32 s3, s0;
	s1 =	sshll.u32 s1, $0x11  }
0xc1: {  	s0 =	sor.u32 s1, s0  }
0xc2: {  	s0 =	sadd.s32 $0x8F2B, s0  }
0xc3: {  	[sflag:s0] =	ssyncadd.remote.s32 $0x1  }
0xc4: {  	_ =	sfence.sel $0xFFFF  }
0xc5: {  	[dreg:$0x0] =	wrdreg $0xFFFFFFFF;
	(pc) =	sbr.abs _section_cstart, $3  }
0xc6: {  	[dreg:$0x1] =	wrdreg $0xFFFFFFFF  }
0xc7: {  	_ =	task.clear_ibuf [dreg:s7], $0x2FFFF;
	_ =	strace $0x9FFFFFFF  }
0xc8: {  	(tm) =	ssettm $0x7FFFFFFF  }
0xc9: {  	_ =	shalt  }
tec
execute0_lowered:
.L_overlay_start_1:
0x0: {  	(tag) =	ssettag $0x1  }
0x1: {  	s0 =	srdreg.scid;
	s5 =	rddreg [dreg:$0x0]  }
0x2: {  	s10 =	rddreg [dreg:$0x1];
	s2 =	simm.s32 $0x0;
	s7 =	simm.s32 $0x1  }
0x3: {  	s13 =	simm.s32 $0x200;
	s14 =	simm.s32 $0x800;
	s15 =	simm.s32 $0x1000  }
0x4: {  	s16 =	simm.s32 $0x1800;
	s17 =	simm.s32 $0x2000;
	s4 =	sand.u32 $0x1, s0  }
0x5: {  	s18 =	simm.s32 $0x2080;
	s0 =	stileid.u32;
	s1 =	sshll.u32 s4, $0x4  }
0x6: {  	s19 =	simm.s32 $0x2100;
	s6 =	sand.u32 $0x3, s0;
	s3 =	sor.u32 s0, s1  }
0x7: {  	s20 =	simm.s32 $0x2;
	p1 =	sne.s32 s6, $0x0;
	p0 =	seq.s32 s3, $0x0  }
0x8: {  	[smem:$0x7FF] =	sst s2;
	s30 =	ssub.s32 $0x2, s4;
	p0 =	por !p1, !p0  }
0x9: {  	s4 =	sadd.s32 $0xE00, s5;
	s1 =	rddreg [dreg:$0x2];
	p0 =	por !p0, !p0  }
0xa: {  	_ =	strace $0x80000047;
	s3 =	sshrl.u32 s3, $0x2;
	s7 =	simm.s32 @!p0 $0x0  }
0xb: {  	s11 =	sshll.u32 s6, $0x7;
	s31 =	sshrl.u32 s30, $0x1;
	s7 =	ssub.s32 s3, s7  }
0xc: {  	s12 =	sshll.u32 s6, $0x5;
	s3 =	simm.s32 $0x1;
	s8 =	sshll.u32 s7, $0xA  }
0xd: {  	s9 =	sshll.u32 s7, $0x9;
	s7 =	sshll.u32 s7, $0x7;
	s8 =	sand.u32 $0x1FFFFC00, s8  }
0xe: {  	s9 =	sor.u32 s11, s9;
	s11 =	ssub.s32 s30, s31;
	s12 =	sor.u32 s12, s7  }
0xf: {  	v0 =	vlaneseq.u32;
	s8 =	sadd.s32 s8, s5;
	s9 =	sshrl.u32 s9, $0x3;
	s12 =	sshrl.u32 s12, $0x3  }
0x10: {  	v0 =	vmul.u32 $0x2, v0;
	s11 =	smax.u32 s11, $0x1;
	s9 =	sadd.s32 s9, s5;
	s5 =	sadd.s32 $0x1000, s8  }
0x11: {  	s6 =	sadd.s32 $0x1010, s8;
	s7 =	sadd.s32 $0x1020, s8;
	s8 =	sadd.s32 $0x1030, s8  }
0x12: {  	v1 =	vor.u32 $0x1, v0;
	s10 =	sadd.s32 s10, s12;
	s12 =	simm.s32 $0x80;
	s9 =	sadd.s32 $0xC00, s9  }
.LBB2_1:
0x13: {  	[tilespmem:s2], [sflag:$0x1] =	stream.strided.gather [hbm4b:s5+s12], $0x800, s13, s12, $0x38;
	[tilespmem:$0x2180] =	vst v63  }
0x14: {  	_ = 	snop  }
0x15: {  	[tilespmem:s14], [sflag:$0x1] =	stream.strided.gather [hbm4b:s6+s12], $0x800, s13, s12, $0x38;
	[tilespmem:$0x2180] =	vst v63  }
0x16: {  	_ = 	snop  }
0x17: {  	[tilespmem:s15], [sflag:$0x1] =	stream.strided.gather [hbm4b:s7+s12], $0x800, s13, s12, $0x38;
	[tilespmem:$0x2180] =	vst v63  }
0x18: {  	_ = 	snop  }
0x19: {  	[tilespmem:s16], [sflag:$0x1] =	stream.strided.gather [hbm4b:s8+s12], $0x800, s13, s12, $0x38;
	[tilespmem:$0x2180] =	vst v63  }
0x1a: {  	_ = 	snop  }
0x1b: {  	[tilespmem:s17], [sflag:$0x1] =	stream.linear.gather [hbm4b:s9+s2], $0x80, $0x38;
	[tilespmem:$0x2180] =	vst v63  }
0x1c: {  	_ = 	snop  }
0x1d: {  	[tilespmem:s18], [sflag:$0x1] =	stream.linear.gather [hbm4b:s4+s2], $0x80, $0x38;
	[tilespmem:$0x2180] =	vst v63  }
0x1e: {  	_ =	swait.ge [sflag:s3], $0x800  }
0x1f: {  	[sflag:s3] =	ssyncset.done $0x0  }
0x20: {  	[sflag:s3] =	ssyncadd.s32 $0xFFFFF800  }
0x21: {  	_ =	swait.ge [sflag:s3], $0x800  }
0x22: {  	[sflag:s3] =	ssyncset.done $0x0  }
0x23: {  	[sflag:s3] =	ssyncadd.s32 $0xFFFFF800  }
0x24: {  	_ =	swait.ge [sflag:s3], $0x800  }
0x25: {  	[sflag:s3] =	ssyncset.done $0x0  }
0x26: {  	[sflag:s3] =	ssyncadd.s32 $0xFFFFF800  }
0x27: {  	_ =	swait.ge [sflag:s3], $0x800  }
0x28: {  	[sflag:s3] =	ssyncset.done $0x0  }
0x29: {  	[sflag:s3] =	ssyncadd.s32 $0xFFFFF800  }
0x2a: {  	_ =	swait.ge [sflag:s3], $0x80  }
0x2b: {  	[sflag:s3] =	ssyncset.done $0x0  }
0x2c: {  	[sflag:s3] =	ssyncadd.s32 $0xFFFFFF80  }
0x2d: {  	_ =	swait.ge [sflag:s3], $0x80  }
0x2e: {  	[sflag:s3] =	ssyncset.done $0x0  }
0x2f: {  	[sflag:s3] =	ssyncadd.s32 $0xFFFFFF80  }
0x30: {  	v5 =	vld [tilespmem:$0x2000];
	_ =	sdelay $0x1  }
0x31: {  	v4 =	vld [tilespmem:$0x2020];
	_ =	sdelay $0x3  }
0x32: {  	v3 =	vld [tilespmem:$0x2010]  }
0x33: {  	v2 =	vld [tilespmem:$0x2030];
	v7 =	vadd.s32 $0x1, v5  }
0x34: {  	v8 =	vld.idx.msk [tilespmem:v5+s2+$0x0], $0xffff  }
0x35: {  	v10 =	vadd.s32 $0x1, v4;
	v9 =	vld.idx.msk [tilespmem:v5+s14+$0x0], $0xffff  }
0x36: {  	v11 =	vld.idx.msk [tilespmem:v4+s15+$0x0], $0xffff  }
0x37: {  	v13 =	vadd.s32 $0x2, v5;
	v12 =	vld.idx.msk [tilespmem:v4+s16+$0x0], $0xffff  }
0x38: {  	v14 =	vld.idx.msk [tilespmem:v7+s2+$0x0], $0xffff  }
0x39: {  	v16 =	vadd.s32 $0x2, v4;
	v15 =	vld.idx.msk [tilespmem:v7+s14+$0x0], $0xffff  }
0x3a: {  	v17 =	vld.idx.msk [tilespmem:v10+s15+$0x0], $0xffff  }
0x3b: {  	v19 =	vadd.s32 $0x3, v5;
	v18 =	vld.idx.msk [tilespmem:v10+s16+$0x0], $0xffff  }
0x3c: {  	v20 =	vld.idx.msk [tilespmem:v13+s2+$0x0], $0xffff  }
0x3d: {  	v6 =	vsub.s32 v3, v5;
	vm0 =	vgt.s32 v3, v5;
	v22 =	vadd.s32 $0x3, v4;
	v21 =	vld.idx.msk [tilespmem:v13+s14+$0x0], $0xffff  }
0x3e: {  	vm1 =	vgt.s32 v2, v4;
	v24 =	vadd.s32 $0x4, v5;
	v29 =	vadd.s32 $0x4, v4;
	v63 =	vld.idx.msk [tilespmem:v16+s15+$0x0], $0xffff  }
0x3f: {  	v34 =	vadd.s32 $0x5, v5;
	v38 =	vadd.s32 $0x5, v4;
	v43 =	vadd.s32 $0x6, v5;
	v23 =	vld.idx.msk [tilespmem:v16+s16+$0x0], $0xffff  }
0x40: {  	v48 =	vadd.s32 $0x6, v4;
	v53 =	vadd.s32 $0x7, v5;
	v58 =	vadd.s32 $0x7, v4;
	v26 =	vld.idx.msk [tilespmem:v19+s2+$0x0], $0xffff  }
0x41: {  	v6 =	vcvt.s32.f32 v6;
	vm12 =	vlt.s32 v7, v3;
	vm13 =	vlt.s32 v10, v2;
	v28 =	vld.idx.msk [tilespmem:v19+s14+$0x0], $0xffff  }
0x42: {  	vm14 =	vlt.s32 v13, v3;
	vm15 =	vlt.s32 v16, v2;
	vm4 =	vlt.s32 v19, v3;
	v31 =	vld.idx.msk [tilespmem:v22+s15+$0x0], $0xffff  }
0x43: {  	vm5 =	vlt.s32 v22, v2;
	vm6 =	vlt.s32 v24, v3;
	vm7 =	vlt.s32 v29, v2;
	v33 =	vld.idx.msk [tilespmem:v22+s16+$0x0], $0xffff  }
0x44: {  	vm8 =	vlt.s32 v34, v3;
	vm9 =	vlt.s32 v38, v2;
	vm10 =	vlt.s32 v43, v3;
	v36 =	vld.idx.msk [tilespmem:v24+s2+$0x0], $0xffff  }
0x45: {  	vm11 =	vlt.s32 v48, v2;
	(erf) = vrcp.f32 v6;
	v6 =	vsub.s32 v2, v4;
	v40 =	vld.idx.msk [tilespmem:v29+s15+$0x0], $0xffff  }
0x46: {  	v6 =	vcvt.s32.f32 v6;
	v42 =	vld.idx.msk [tilespmem:v29+s16+$0x0], $0xffff;
	v8 =	vadd.f32 $0.0e+00, v8;
	v9 =	vadd.f32 $0.0e+00, v9  }
0x47: {  	v45 =	vld.idx.msk [tilespmem:v34+s2+$0x0], $0xffff;
	v29 =	vadd.s32 $0x8, v4;
	v11 =	vadd.f32 $0.0e+00, v11;
	v12 =	vadd.f32 $0.0e+00, v12  }
0x48: {  	v47 =	vld.idx.msk [tilespmem:v34+s14+$0x0], $0xffff;
	v34 =	vadd.s32 $0x9, v5;
	(erf) = vrcp.f32 v6;
	v8 =	vnsel vm0, $0x0, v8  }
0x49: {  	v37 =	vld.idx.msk [tilespmem:v24+s14+$0x0], $0xffff;
	v9 =	vnsel vm0, $0x0, v9;
	v11 =	vnsel vm1, $0x0, v11;
	v12 =	vnsel vm1, $0x0, v12  }
0x4a: {  	v60 =	vld.idx.msk [tilespmem:v48+s15+$0x0], $0xffff;
	v14 =	vnsel vm12, $0x0, v14;
	v25 =	vnsel vm12, $0x0, v15;
	v27 =	vnsel vm13, $0x0, v17  }
0x4b: {  	v62 =	vld.idx.msk [tilespmem:v48+s16+$0x0], $0xffff;
	v30 =	vnsel vm13, $0x0, v18;
	v32 =	vnsel vm14, $0x0, v20;
	v35 =	vnsel vm14, $0x0, v21  }
0x4c: {  	v7 =	vnsel vm15, $0x0, v63;
	v39 =	vnsel vm15, $0x0, v23;
	v41 =	vnsel vm4, $0x0, v26  }
0x4d: {  	v50 =	vld.idx.msk [tilespmem:v38+s15+$0x0], $0xffff;
	v44 =	vnsel vm4, $0x0, v28;
	v46 =	vnsel vm5, $0x0, v31;
	v49 =	vnsel vm5, $0x0, v33  }
0x4e: {  	v52 =	vld.idx.msk [tilespmem:v38+s16+$0x0], $0xffff;
	v51 =	vnsel vm6, $0x0, v36;
	v54 =	vnsel vm6, $0x0, v37;
	v56 =	vnsel vm7, $0x0, v40  }
0x4f: {  	v55 =	vld.idx.msk [tilespmem:v43+s2+$0x0], $0xffff;
	v59 =	vnsel vm7, $0x0, v42;
	v61 =	vnsel vm8, $0x0, v45;
	v63 =	vadd.s32 $0x8, v5  }
0x50: {  	v57 =	vld.idx.msk [tilespmem:v43+s14+$0x0], $0xffff;
	v37 =	vnsel vm11, $0x0, v60;
	v40 =	vnsel vm11, $0x0, v62;
	vm12 =	vlt.s32 v53, v3  }
0x51: {  	v26 =	vld.idx.msk [tilespmem:v53+s2+$0x0], $0xffff;
	vm13 =	vlt.s32 v58, v2;
	vm15 =	vlt.s32 v29, v2;
	v8 =	vadd.f32 v14, v8  }
0x52: {  	v28 =	vld.idx.msk [tilespmem:v53+s14+$0x0], $0xffff;
	vm4 =	vlt.s32 v34, v3;
	v9 =	vadd.f32 v25, v9;
	v10 =	vadd.f32 v27, v11  }
0x53: {  	v31 =	vld.idx.msk [tilespmem:v58+s15+$0x0], $0xffff;
	v11 =	vadd.f32 v30, v12;
	v25 =	vnsel vm8, $0x0, v47;
	v27 =	vnsel vm9, $0x0, v50  }
0x54: {  	v33 =	vld.idx.msk [tilespmem:v58+s16+$0x0], $0xffff;
	v30 =	vnsel vm9, $0x0, v52;
	v8 =	vadd.f32 v32, v8;
	v9 =	vadd.f32 v35, v9  }
0x55: {  	v43 =	vld.idx.msk [tilespmem:v29+s16+$0x0], $0xffff;
	vm14 =	vlt.s32 v63, v3;
	v7 =	vadd.f32 v7, v10;
	v10 =	vadd.f32 v39, v11  }
0x56: {  	v48 =	vld.idx.msk [tilespmem:v34+s14+$0x0], $0xffff;
	v32 =	vnsel vm10, $0x0, v55;
	v35 =	vnsel vm10, $0x0, v57;
	v39 =	vadd.s32 $0x9, v4  }
0x57: {  	vm5 =	vlt.s32 v39, v2;
	v8 =	vadd.f32 v41, v8;
	v9 =	vadd.f32 v44, v9  }
0x58: {  	v7 =	vadd.f32 v46, v7;
	v10 =	vadd.f32 v49, v10;
	v42 =	vnsel vm12, $0x0, v26  }
0x59: {  	v36 =	vld.idx.msk [tilespmem:v63+s2+$0x0], $0xffff;
	v44 =	vadd.s32 $0xA, v5;
	v45 =	vnsel vm12, $0x0, v28;
	v47 =	vnsel vm13, $0x0, v31  }
0x5a: {  	v38 =	vld.idx.msk [tilespmem:v63+s14+$0x0], $0xffff;
	v49 =	vadd.s32 $0xA, v4;
	v50 =	vnsel vm13, $0x0, v33;
	v60 =	vnsel vm15, $0x0, v43  }
0x5b: {  	v41 =	vld.idx.msk [tilespmem:v29+s15+$0x0], $0xffff;
	v28 =	vadd.s32 $0xC, v5;
	v29 =	vnsel vm4, $0x0, v48;
	v33 =	vadd.s32 $0xC, v4  }
0x5c: {  	v46 =	vld.idx.msk [tilespmem:v34+s2+$0x0], $0xffff;
	v43 =	vadd.s32 $0xD, v4;
	v48 =	vadd.s32 $0xE, v5;
	vm6 =	vlt.s32 v44, v3  }
0x5d: {  	vm7 =	vlt.s32 v49, v2;
	vm10 =	vlt.s32 v28, v3;
	v8 =	vadd.f32 v51, v8;
	v51 =	vld.idx.msk [tilespmem:v39+s15+$0x0], $0xffff  }
0x5e: {  	vm11 =	vlt.s32 v33, v2;
	vm13 =	vlt.s32 v43, v2;
	v9 =	vadd.f32 v54, v9;
	v53 =	vld.idx.msk [tilespmem:v39+s16+$0x0], $0xffff  }
0x5f: {  	v7 =	vadd.f32 v56, v7;
	v10 =	vadd.f32 v59, v10;
	v54 =	vadd.s32 $0xB, v5;
	v56 =	vld.idx.msk [tilespmem:v44+s2+$0x0], $0xffff  }
0x60: {  	v59 =	vadd.s32 $0xB, v4;
	vm8 =	vlt.s32 v54, v3;
	v8 =	vadd.f32 v61, v8;
	v58 =	vld.idx.msk [tilespmem:v44+s14+$0x0], $0xffff  }
0x61: {  	vm9 =	vlt.s32 v59, v2;
	v9 =	vadd.f32 v25, v9;
	v10 =	vadd.f32 v30, v10;
	v61 =	vld.idx.msk [tilespmem:v49+s15+$0x0], $0xffff  }
0x62: {  	v7 =	vadd.f32 v27, v7;
	v52 =	vnsel vm14, $0x0, v36;
	v55 =	vnsel vm14, $0x0, v38;
	v63 =	vld.idx.msk [tilespmem:v49+s16+$0x0], $0xffff  }
0x63: {  	v57 =	vnsel vm15, $0x0, v41;
	v8 =	vadd.f32 v32, v8;
	v10 =	vadd.f32 v40, v10;
	v40 =	vld.idx.msk [tilespmem:v28+s2+$0x0], $0xffff  }
0x64: {  	v62 =	vnsel vm4, $0x0, v46;
	v9 =	vadd.f32 v35, v9;
	v7 =	vadd.f32 v37, v7;
	v30 =	vld.idx.msk [tilespmem:v54+s2+$0x0], $0xffff  }
0x65: {  	v38 =	vadd.s32 $0xD, v5;
	vm14 =	vlt.s32 v48, v3;
	v32 =	vld.idx.msk [tilespmem:v54+s14+$0x0], $0xffff;
	v8 =	vadd.f32 v42, v8  }
0x66: {  	vm12 =	vlt.s32 v38, v3;
	v35 =	vld.idx.msk [tilespmem:v59+s15+$0x0], $0xffff;
	v9 =	vadd.f32 v45, v9;
	v7 =	vadd.f32 v47, v7  }
0x67: {  	v37 =	vld.idx.msk [tilespmem:v59+s16+$0x0], $0xffff;
	v10 =	vadd.f32 v50, v10;
	v31 =	vnsel vm5, $0x0, v51;
	v34 =	vnsel vm5, $0x0, v53  }
0x68: {  	v42 =	vld.idx.msk [tilespmem:v28+s14+$0x0], $0xffff;
	v53 =	vadd.s32 $0xE, v4;
	v8 =	vadd.f32 v52, v8;
	v9 =	vadd.f32 v55, v9  }
0x69: {  	v45 =	vld.idx.msk [tilespmem:v33+s15+$0x0], $0xffff;
	vm15 =	vlt.s32 v53, v2;
	v7 =	vadd.f32 v57, v7;
	v10 =	vadd.f32 v60, v10  }
0x6a: {  	v47 =	vld.idx.msk [tilespmem:v33+s16+$0x0], $0xffff;
	v36 =	vnsel vm6, $0x0, v56;
	v39 =	vnsel vm6, $0x0, v58;
	v41 =	vnsel vm7, $0x0, v61  }
0x6b: {  	v44 =	vnsel vm7, $0x0, v63;
	v50 =	vld.idx.msk [tilespmem:v38+s2+$0x0], $0xffff;
	v58 =	vadd.s32 $0xF, v5;
	v63 =	vadd.s32 $0xF, v4  }
0x6c: {  	v52 =	vld.idx.msk [tilespmem:v38+s14+$0x0], $0xffff;
	v56 =	vnsel vm10, $0x0, v40;
	vm4 =	vlt.s32 v58, v3;
	v8 =	vadd.f32 v62, v8  }
0x6d: {  	v55 =	vld.idx.msk [tilespmem:v43+s15+$0x0], $0xffff;
	vm5 =	vlt.s32 v63, v2;
	v9 =	vadd.f32 v29, v9;
	v7 =	vadd.f32 v31, v7  }
0x6e: {  	v57 =	vld.idx.msk [tilespmem:v43+s16+$0x0], $0xffff;
	v10 =	vadd.f32 v34, v10;
	v46 =	vnsel vm8, $0x0, v30;
	v49 =	vnsel vm8, $0x0, v32  }
0x6f: {  	v60 =	vld.idx.msk [tilespmem:v48+s2+$0x0], $0xffff;
	v51 =	vnsel vm9, $0x0, v35;
	v54 =	vnsel vm9, $0x0, v37;
	v32 =	vadd.s32 $0x10, v5  }
0x70: {  	v62 =	vld.idx.msk [tilespmem:v48+s14+$0x0], $0xffff;
	v37 =	vadd.s32 $0x10, v4;
	v59 =	vnsel vm10, $0x0, v42;
	v61 =	vnsel vm11, $0x0, v45  }
0x71: {  	v28 =	vnsel vm11, $0x0, v47;
	v29 =	vld.idx.msk [tilespmem:v53+s15+$0x0], $0xffff;
	v42 =	vadd.s32 $0x11, v5;
	v47 =	vadd.s32 $0x11, v4  }
0x72: {  	v31 =	vld.idx.msk [tilespmem:v53+s16+$0x0], $0xffff;
	vm6 =	vlt.s32 v32, v3;
	v8 =	vadd.f32 v36, v8;
	v9 =	vadd.f32 v39, v9  }
0x73: {  	vm7 =	vlt.s32 v37, v2;
	v7 =	vadd.f32 v41, v7;
	v10 =	vadd.f32 v44, v10;
	v34 =	vld.idx.msk [tilespmem:v58+s2+$0x0], $0xffff  }
0x74: {  	vm8 =	vlt.s32 v42, v3;
	vm9 =	vlt.s32 v47, v2;
	v30 =	vnsel vm12, $0x0, v50;
	v36 =	vld.idx.msk [tilespmem:v58+s14+$0x0], $0xffff  }
0x75: {  	v33 =	vnsel vm12, $0x0, v52;
	v35 =	vnsel vm13, $0x0, v55;
	v38 =	vnsel vm13, $0x0, v57;
	v39 =	vld.idx.msk [tilespmem:v63+s15+$0x0], $0xffff  }
0x76: {  	v40 =	vnsel vm14, $0x0, v60;
	v41 =	vld.idx.msk [tilespmem:v63+s16+$0x0], $0xffff;
	v52 =	vadd.s32 $0x12, v5;
	v8 =	vadd.f32 v46, v8  }
0x77: {  	v57 =	vadd.s32 $0x12, v4;
	v9 =	vadd.f32 v49, v9;
	v7 =	vadd.f32 v51, v7;
	v44 =	vld.idx.msk [tilespmem:v32+s2+$0x0], $0xffff  }
0x78: {  	v10 =	vadd.f32 v54, v10;
	vm10 =	vlt.s32 v52, v3;
	vm11 =	vlt.s32 v57, v2;
	v46 =	vld.idx.msk [tilespmem:v32+s14+$0x0], $0xffff  }
0x79: {  	v43 =	vnsel vm14, $0x0, v62;
	v49 =	vld.idx.msk [tilespmem:v37+s15+$0x0], $0xffff;
	v8 =	vadd.f32 v56, v8;
	v9 =	vadd.f32 v59, v9  }
0x7a: {  	v51 =	vld.idx.msk [tilespmem:v37+s16+$0x0], $0xffff;
	v62 =	vadd.s32 $0x13, v5;
	v7 =	vadd.f32 v61, v7;
	v10 =	vadd.f32 v28, v10  }
0x7b: {  	v45 =	vnsel vm15, $0x0, v29;
	v48 =	vnsel vm15, $0x0, v31;
	v54 =	vld.idx.msk [tilespmem:v42+s2+$0x0], $0xffff;
	v28 =	vadd.s32 $0x13, v4  }
0x7c: {  	v56 =	vld.idx.msk [tilespmem:v42+s14+$0x0], $0xffff;
	vm12 =	vlt.s32 v62, v3;
	v8 =	vadd.f32 v30, v8;
	v9 =	vadd.f32 v33, v9  }
0x7d: {  	v59 =	vld.idx.msk [tilespmem:v47+s15+$0x0], $0xffff;
	vm13 =	vlt.s32 v28, v2;
	v7 =	vadd.f32 v35, v7;
	v10 =	vadd.f32 v38, v10  }
0x7e: {  	v61 =	vld.idx.msk [tilespmem:v47+s16+$0x0], $0xffff;
	v50 =	vnsel vm4, $0x0, v34;
	v53 =	vnsel vm4, $0x0, v36;
	v55 =	vnsel vm5, $0x0, v39  }
0x7f: {  	v58 =	vnsel vm5, $0x0, v41;
	v25 =	vld.idx.msk [tilespmem:v52+s2+$0x0], $0xffff;
	v33 =	vadd.s32 $0x14, v5;
	v38 =	vadd.s32 $0x14, v4  }
0x80: {  	v27 =	vld.idx.msk [tilespmem:v52+s14+$0x0], $0xffff;
	vm14 =	vlt.s32 v33, v3;
	v8 =	vadd.f32 v40, v8;
	v9 =	vadd.f32 v43, v9  }
0x81: {  	v30 =	vld.idx.msk [tilespmem:v57+s15+$0x0], $0xffff;
	vm15 =	vlt.s32 v38, v2;
	v7 =	vadd.f32 v45, v7;
	v10 =	vadd.f32 v48, v10  }
0x82: {  	v32 =	vld.idx.msk [tilespmem:v57+s16+$0x0], $0xffff;
	v60 =	vnsel vm6, $0x0, v44;
	v63 =	vnsel vm6, $0x0, v46;
	v26 =	vnsel vm7, $0x0, v49  }
0x83: {  	v29 =	vnsel vm7, $0x0, v51;
	v35 =	vld.idx.msk [tilespmem:v62+s2+$0x0], $0xffff;
	v43 =	vadd.s32 $0x15, v5;
	v48 =	vadd.s32 $0x15, v4  }
0x84: {  	v37 =	vld.idx.msk [tilespmem:v62+s14+$0x0], $0xffff;
	v31 =	vnsel vm8, $0x0, v54;
	v34 =	vnsel vm8, $0x0, v56;
	v36 =	vnsel vm9, $0x0, v59  }
0x85: {  	v39 =	vnsel vm9, $0x0, v61;
	v40 =	vld.idx.msk [tilespmem:v28+s15+$0x0], $0xffff;
	vm4 =	vlt.s32 v43, v3;
	v8 =	vadd.f32 v50, v8  }
0x86: {  	v42 =	vld.idx.msk [tilespmem:v28+s16+$0x0], $0xffff;
	vm5 =	vlt.s32 v48, v2;
	v9 =	vadd.f32 v53, v9;
	v7 =	vadd.f32 v55, v7  }
0x87: {  	v10 =	vadd.f32 v58, v10;
	v53 =	vadd.s32 $0x16, v5;
	v58 =	vadd.s32 $0x16, v4;
	v45 =	vld.idx.msk [tilespmem:v33+s2+$0x0], $0xffff  }
0x88: {  	v41 =	vnsel vm10, $0x0, v25;
	v44 =	vnsel vm10, $0x0, v27;
	v46 =	vnsel vm11, $0x0, v30;
	v47 =	vld.idx.msk [tilespmem:v33+s14+$0x0], $0xffff  }
0x89: {  	v49 =	vnsel vm11, $0x0, v32;
	v50 =	vld.idx.msk [tilespmem:v38+s15+$0x0], $0xffff;
	vm6 =	vlt.s32 v53, v3;
	v8 =	vadd.f32 v60, v8  }
0x8a: {  	v52 =	vld.idx.msk [tilespmem:v38+s16+$0x0], $0xffff;
	vm7 =	vlt.s32 v58, v2;
	v9 =	vadd.f32 v63, v9;
	v7 =	vadd.f32 v26, v7  }
0x8b: {  	v10 =	vadd.f32 v29, v10;
	v63 =	vadd.s32 $0x17, v5;
	v51 =	vnsel vm12, $0x0, v35;
	v55 =	vld.idx.msk [tilespmem:v43+s2+$0x0], $0xffff  }
0x8c: {  	v54 =	vnsel vm12, $0x0, v37;
	v57 =	vld.idx.msk [tilespmem:v43+s14+$0x0], $0xffff;
	v8 =	vadd.f32 v31, v8;
	v9 =	vadd.f32 v34, v9  }
0x8d: {  	v60 =	vld.idx.msk [tilespmem:v48+s15+$0x0], $0xffff;
	vm8 =	vlt.s32 v63, v3;
	v7 =	vadd.f32 v36, v7;
	v10 =	vadd.f32 v39, v10  }
0x8e: {  	v62 =	vld.idx.msk [tilespmem:v48+s16+$0x0], $0xffff;
	v56 =	vnsel vm13, $0x0, v40;
	v59 =	vnsel vm13, $0x0, v42;
	v31 =	vadd.s32 $0x17, v4  }
0x8f: {  	v36 =	vadd.s32 $0x18, v5;
	v28 =	vld.idx.msk [tilespmem:v53+s2+$0x0], $0xffff;
	vm9 =	vlt.s32 v31, v2;
	v8 =	vadd.f32 v41, v8  }
0x90: {  	v30 =	vld.idx.msk [tilespmem:v53+s14+$0x0], $0xffff;
	vm10 =	vlt.s32 v36, v3;
	v9 =	vadd.f32 v44, v9;
	v7 =	vadd.f32 v46, v7  }
0x91: {  	v33 =	vld.idx.msk [tilespmem:v58+s15+$0x0], $0xffff;
	v10 =	vadd.f32 v49, v10;
	v61 =	vnsel vm14, $0x0, v45;
	v27 =	vnsel vm14, $0x0, v47  }
0x92: {  	v35 =	vld.idx.msk [tilespmem:v58+s16+$0x0], $0xffff;
	v29 =	vnsel vm15, $0x0, v50;
	v32 =	vnsel vm15, $0x0, v52;
	v41 =	vadd.s32 $0x18, v4  }
0x93: {  	v46 =	vadd.s32 $0x19, v5;
	v38 =	vld.idx.msk [tilespmem:v63+s2+$0x0], $0xffff;
	vm11 =	vlt.s32 v41, v2;
	v8 =	vadd.f32 v51, v8  }
0x94: {  	v40 =	vld.idx.msk [tilespmem:v63+s14+$0x0], $0xffff;
	vm12 =	vlt.s32 v46, v3;
	v9 =	vadd.f32 v54, v9;
	v7 =	vadd.f32 v56, v7  }
0x95: {  	v10 =	vadd.f32 v59, v10;
	v34 =	vnsel vm4, $0x0, v55;
	v37 =	vnsel vm4, $0x0, v57;
	v43 =	vld.idx.msk [tilespmem:v31+s15+$0x0], $0xffff  }
0x96: {  	v39 =	vnsel vm5, $0x0, v60;
	v42 =	vnsel vm5, $0x0, v62;
	v51 =	vadd.s32 $0x19, v4;
	v45 =	vld.idx.msk [tilespmem:v31+s16+$0x0], $0xffff  }
0x97: {  	v56 =	vadd.s32 $0x1A, v5;
	v48 =	vld.idx.msk [tilespmem:v36+s2+$0x0], $0xffff;
	vm13 =	vlt.s32 v51, v2;
	v8 =	vadd.f32 v61, v8  }
0x98: {  	v50 =	vld.idx.msk [tilespmem:v36+s14+$0x0], $0xffff;
	vm14 =	vlt.s32 v56, v3;
	v9 =	vadd.f32 v27, v9;
	v7 =	vadd.f32 v29, v7  }
0x99: {  	v10 =	vadd.f32 v32, v10;
	v44 =	vnsel vm6, $0x0, v28;
	v47 =	vnsel vm6, $0x0, v30;
	v53 =	vld.idx.msk [tilespmem:v41+s15+$0x0], $0xffff  }
0x9a: {  	v49 =	vnsel vm7, $0x0, v33;
	v52 =	vnsel vm7, $0x0, v35;
	v61 =	vadd.s32 $0x1A, v4;
	v55 =	vld.idx.msk [tilespmem:v41+s16+$0x0], $0xffff  }
0x9b: {  	v29 =	vadd.s32 $0x1B, v5;
	v58 =	vld.idx.msk [tilespmem:v46+s2+$0x0], $0xffff;
	vm15 =	vlt.s32 v61, v2;
	v8 =	vadd.f32 v34, v8  }
0x9c: {  	v60 =	vld.idx.msk [tilespmem:v46+s14+$0x0], $0xffff;
	vm4 =	vlt.s32 v29, v3;
	v9 =	vadd.f32 v37, v9;
	v7 =	vadd.f32 v39, v7  }
0x9d: {  	v10 =	vadd.f32 v42, v10;
	v54 =	vnsel vm8, $0x0, v38;
	v34 =	vadd.s32 $0x1B, v4;
	v63 =	vld.idx.msk [tilespmem:v51+s15+$0x0], $0xffff  }
0x9e: {  	v57 =	vnsel vm8, $0x0, v40;
	v39 =	vadd.s32 $0x1C, v5;
	v28 =	vld.idx.msk [tilespmem:v51+s16+$0x0], $0xffff;
	vm5 =	vlt.s32 v34, v2  }
0x9f: {  	v31 =	vld.idx.msk [tilespmem:v56+s2+$0x0], $0xffff;
	vm6 =	vlt.s32 v39, v3;
	v8 =	vadd.f32 v44, v8;
	v9 =	vadd.f32 v47, v9  }
0xa0: {  	v33 =	vld.idx.msk [tilespmem:v56+s14+$0x0], $0xffff;
	v7 =	vadd.f32 v49, v7;
	v10 =	vadd.f32 v52, v10;
	v59 =	vnsel vm9, $0x0, v43  }
0xa1: {  	v62 =	vnsel vm9, $0x0, v45;
	v27 =	vnsel vm10, $0x0, v48;
	v44 =	vadd.s32 $0x1C, v4;
	v36 =	vld.idx.msk [tilespmem:v61+s15+$0x0], $0xffff  }
0xa2: {  	v30 =	vnsel vm10, $0x0, v50;
	v49 =	vadd.s32 $0x1D, v5;
	v38 =	vld.idx.msk [tilespmem:v61+s16+$0x0], $0xffff;
	vm7 =	vlt.s32 v44, v2  }
0xa3: {  	v41 =	vld.idx.msk [tilespmem:v29+s2+$0x0], $0xffff;
	vm8 =	vlt.s32 v49, v3;
	v8 =	vadd.f32 v54, v8;
	v9 =	vadd.f32 v57, v9  }
0xa4: {  	v43 =	vld.idx.msk [tilespmem:v29+s14+$0x0], $0xffff;
	v7 =	vadd.f32 v59, v7;
	v10 =	vadd.f32 v62, v10;
	v32 =	vnsel vm11, $0x0, v53  }
0xa5: {  	v35 =	vnsel vm11, $0x0, v55;
	v37 =	vnsel vm12, $0x0, v58;
	v54 =	vadd.s32 $0x1D, v4;
	v46 =	vld.idx.msk [tilespmem:v34+s15+$0x0], $0xffff  }
0xa6: {  	v40 =	vnsel vm12, $0x0, v60;
	v59 =	vadd.s32 $0x1E, v5;
	v48 =	vld.idx.msk [tilespmem:v34+s16+$0x0], $0xffff;
	vm9 =	vlt.s32 v54, v2  }
0xa7: {  	v51 =	vld.idx.msk [tilespmem:v39+s2+$0x0], $0xffff;
	vm10 =	vlt.s32 v59, v3;
	v8 =	vadd.f32 v27, v8;
	v9 =	vadd.f32 v30, v9  }
0xa8: {  	v53 =	vld.idx.msk [tilespmem:v39+s14+$0x0], $0xffff;
	v7 =	vadd.f32 v32, v7;
	v10 =	vadd.f32 v35, v10;
	v42 =	vnsel vm13, $0x0, v63  }
0xa9: {  	v45 =	vnsel vm13, $0x0, v28;
	v47 =	vnsel vm14, $0x0, v31;
	v28 =	vadd.s32 $0x1E, v4;
	v56 =	vld.idx.msk [tilespmem:v44+s15+$0x0], $0xffff  }
0xaa: {  	v50 =	vnsel vm14, $0x0, v33;
	v33 =	vadd.s32 $0x1F, v5;
	v58 =	vld.idx.msk [tilespmem:v44+s16+$0x0], $0xffff;
	vm11 =	vlt.s32 v28, v2  }
0xab: {  	v61 =	vld.idx.msk [tilespmem:v49+s2+$0x0], $0xffff;
	vm12 =	vlt.s32 v33, v3;
	v8 =	vadd.f32 v37, v8;
	v9 =	vadd.f32 v40, v9  }
0xac: {  	v63 =	vld.idx.msk [tilespmem:v49+s14+$0x0], $0xffff;
	v7 =	vadd.f32 v42, v7;
	v10 =	vadd.f32 v45, v10;
	v52 =	vnsel vm15, $0x0, v36  }
0xad: {  	v55 =	vnsel vm15, $0x0, v38;
	v57 =	vnsel vm4, $0x0, v41;
	v38 =	vadd.s32 $0x1F, v4;
	v30 =	vld.idx.msk [tilespmem:v54+s15+$0x0], $0xffff  }
0xae: {  	v60 =	vnsel vm4, $0x0, v43;
	v43 =	vadd.s32 $0x20, v5;
	v32 =	vld.idx.msk [tilespmem:v54+s16+$0x0], $0xffff;
	vm13 =	vlt.s32 v38, v2  }
0xaf: {  	v35 =	vld.idx.msk [tilespmem:v59+s2+$0x0], $0xffff;
	vm14 =	vlt.s32 v43, v3;
	v8 =	vadd.f32 v47, v8;
	v9 =	vadd.f32 v50, v9  }
0xb0: {  	v7 =	vadd.f32 v52, v7;
	v10 =	vadd.f32 v55, v10;
	v62 =	vnsel vm5, $0x0, v46;
	v40 =	vld.idx.msk [tilespmem:v28+s15+$0x0], $0xffff  }
0xb1: {  	v29 =	vnsel vm5, $0x0, v48;
	v31 =	vnsel vm6, $0x0, v51;
	v34 =	vnsel vm6, $0x0, v53;
	v42 =	vld.idx.msk [tilespmem:v28+s16+$0x0], $0xffff  }
0xb2: {  	v48 =	vadd.s32 $0x20, v4;
	v53 =	vadd.s32 $0x21, v5;
	v45 =	vld.idx.msk [tilespmem:v33+s2+$0x0], $0xffff;
	v28 =	vadd.s32 $0x22, v4  }
0xb3: {  	v47 =	vld.idx.msk [tilespmem:v33+s14+$0x0], $0xffff;
	v33 =	vadd.s32 $0x23, v5;
	vm15 =	vlt.s32 v48, v2;
	v8 =	vadd.f32 v57, v8  }
0xb4: {  	v37 =	vld.idx.msk [tilespmem:v59+s14+$0x0], $0xffff;
	vm4 =	vlt.s32 v53, v3;
	v9 =	vadd.f32 v60, v9;
	v7 =	vadd.f32 v62, v7  }
0xb5: {  	v10 =	vadd.f32 v29, v10;
	v36 =	vnsel vm7, $0x0, v56;
	v39 =	vnsel vm7, $0x0, v58;
	v50 =	vld.idx.msk [tilespmem:v38+s15+$0x0], $0xffff  }
0xb6: {  	v41 =	vnsel vm8, $0x0, v61;
	v44 =	vnsel vm8, $0x0, v63;
	v58 =	vadd.s32 $0x21, v4;
	v52 =	vld.idx.msk [tilespmem:v38+s16+$0x0], $0xffff  }
0xb7: {  	v63 =	vadd.s32 $0x22, v5;
	vm7 =	vlt.s32 v28, v2;
	vm8 =	vlt.s32 v33, v3;
	v55 =	vld.idx.msk [tilespmem:v43+s2+$0x0], $0xffff  }
0xb8: {  	v57 =	vld.idx.msk [tilespmem:v43+s14+$0x0], $0xffff;
	v38 =	vadd.s32 $0x23, v4;
	v43 =	vadd.s32 $0x24, v5;
	vm5 =	vlt.s32 v58, v2  }
0xb9: {  	vm6 =	vlt.s32 v63, v3;
	v8 =	vadd.f32 v31, v8;
	v9 =	vadd.f32 v34, v9;
	v60 =	vld.idx.msk [tilespmem:v48+s15+$0x0], $0xffff  }
0xba: {  	v7 =	vadd.f32 v36, v7;
	v10 =	vadd.f32 v39, v10;
	v46 =	vnsel vm9, $0x0, v30;
	v62 =	vld.idx.msk [tilespmem:v48+s16+$0x0], $0xffff  }
0xbb: {  	v49 =	vnsel vm9, $0x0, v32;
	v51 =	vnsel vm10, $0x0, v35;
	v54 =	vnsel vm10, $0x0, v37;
	v25 =	vld.idx.msk [tilespmem:v53+s2+$0x0], $0xffff  }
0xbc: {  	vm9 =	vlt.s32 v38, v2;
	vm10 =	vlt.s32 v43, v3;
	v27 =	vld.idx.msk [tilespmem:v53+s14+$0x0], $0xffff;
	v48 =	vadd.s32 $0x24, v4  }
0xbd: {  	v8 =	vadd.f32 v41, v8;
	v9 =	vadd.f32 v44, v9;
	v56 =	vnsel vm11, $0x0, v40;
	v40 =	vld.idx.msk [tilespmem:v28+s15+$0x0], $0xffff  }
0xbe: {  	v53 =	vadd.s32 $0x25, v5;
	v7 =	vadd.f32 v46, v7;
	v10 =	vadd.f32 v49, v10;
	v30 =	vld.idx.msk [tilespmem:v58+s15+$0x0], $0xffff  }
0xbf: {  	v59 =	vnsel vm11, $0x0, v42;
	v61 =	vnsel vm12, $0x0, v45;
	v19 =	vnsel vm12, $0x0, v47;
	v32 =	vld.idx.msk [tilespmem:v58+s16+$0x0], $0xffff  }
0xc0: {  	vm11 =	vlt.s32 v48, v2;
	vm12 =	vlt.s32 v53, v3;
	v35 =	vld.idx.msk [tilespmem:v63+s2+$0x0], $0xffff;
	v58 =	vadd.s32 $0x25, v4  }
0xc1: {  	v37 =	vld.idx.msk [tilespmem:v63+s14+$0x0], $0xffff;
	v63 =	vadd.s32 $0x26, v5;
	v8 =	vadd.f32 v51, v8;
	v9 =	vadd.f32 v54, v9  }
0xc2: {  	v42 =	vld.idx.msk [tilespmem:v28+s16+$0x0], $0xffff;
	v7 =	vadd.f32 v56, v7;
	v10 =	vadd.f32 v59, v10;
	v26 =	vnsel vm13, $0x0, v50  }
0xc3: {  	v45 =	vld.idx.msk [tilespmem:v33+s2+$0x0], $0xffff;
	v29 =	vnsel vm13, $0x0, v52;
	v31 =	vnsel vm14, $0x0, v55;
	v34 =	vnsel vm14, $0x0, v57  }
0xc4: {  	v47 =	vld.idx.msk [tilespmem:v33+s14+$0x0], $0xffff;
	vm13 =	vlt.s32 v58, v2;
	v8 =	vadd.f32 v61, v8;
	v9 =	vadd.f32 v19, v9  }
0xc5: {  	v50 =	vld.idx.msk [tilespmem:v38+s15+$0x0], $0xffff;
	vm14 =	vlt.s32 v63, v3;
	v7 =	vadd.f32 v26, v7;
	v10 =	vadd.f32 v29, v10  }
0xc6: {  	v52 =	vld.idx.msk [tilespmem:v38+s16+$0x0], $0xffff;
	v36 =	vnsel vm15, $0x0, v60;
	v39 =	vnsel vm15, $0x0, v62;
	v41 =	vnsel vm4, $0x0, v25  }
0xc7: {  	v55 =	vld.idx.msk [tilespmem:v43+s2+$0x0], $0xffff;
	v44 =	vnsel vm4, $0x0, v27;
	v56 =	vnsel vm7, $0x0, v40;
	v59 =	vnsel vm7, $0x0, v42  }
0xc8: {  	v57 =	vld.idx.msk [tilespmem:v43+s14+$0x0], $0xffff;
	v61 =	vnsel vm8, $0x0, v45;
	v8 =	vadd.f32 v31, v8;
	v9 =	vadd.f32 v34, v9  }
0xc9: {  	v60 =	vld.idx.msk [tilespmem:v48+s15+$0x0], $0xffff;
	v27 =	vnsel vm8, $0x0, v47;
	v7 =	vadd.f32 v36, v7;
	v10 =	vadd.f32 v39, v10  }
0xca: {  	v62 =	vld.idx.msk [tilespmem:v48+s16+$0x0], $0xffff;
	v46 =	vnsel vm5, $0x0, v30;
	v49 =	vnsel vm5, $0x0, v32;
	v51 =	vnsel vm6, $0x0, v35  }
0xcb: {  	v28 =	vld.idx.msk [tilespmem:v53+s2+$0x0], $0xffff;
	v54 =	vnsel vm6, $0x0, v37;
	v31 =	vadd.s32 $0x26, v4;
	v36 =	vadd.s32 $0x27, v5  }
0xcc: {  	v30 =	vld.idx.msk [tilespmem:v53+s14+$0x0], $0xffff;
	v29 =	vnsel vm9, $0x0, v50;
	v32 =	vnsel vm9, $0x0, v52;
	v34 =	vnsel vm10, $0x0, v55  }
0xcd: {  	v33 =	vld.idx.msk [tilespmem:v58+s15+$0x0], $0xffff;
	v37 =	vnsel vm10, $0x0, v57;
	vm15 =	vlt.s32 v31, v2;
	v8 =	vadd.f32 v41, v8  }
0xce: {  	v35 =	vld.idx.msk [tilespmem:v58+s16+$0x0], $0xffff;
	vm4 =	vlt.s32 v36, v3;
	v9 =	vadd.f32 v44, v9;
	v7 =	vadd.f32 v46, v7  }
0xcf: {  	v38 =	vld.idx.msk [tilespmem:v63+s2+$0x0], $0xffff;
	v10 =	vadd.f32 v49, v10;
	v41 =	vadd.s32 $0x27, v4;
	v46 =	vadd.s32 $0x28, v5  }
0xd0: {  	v40 =	vld.idx.msk [tilespmem:v63+s14+$0x0], $0xffff;
	v39 =	vnsel vm11, $0x0, v60;
	v42 =	vnsel vm11, $0x0, v62;
	v44 =	vnsel vm12, $0x0, v28  }
0xd1: {  	vm5 =	vlt.s32 v41, v2;
	v8 =	vadd.f32 v51, v8;
	v9 =	vadd.f32 v54, v9;
	v43 =	vld.idx.msk [tilespmem:v31+s15+$0x0], $0xffff  }
0xd2: {  	vm6 =	vlt.s32 v46, v3;
	v7 =	vadd.f32 v56, v7;
	v10 =	vadd.f32 v59, v10;
	v45 =	vld.idx.msk [tilespmem:v31+s16+$0x0], $0xffff  }
0xd3: {  	v51 =	vadd.s32 $0x28, v4;
	v56 =	vadd.s32 $0x29, v5;
	v47 =	vnsel vm12, $0x0, v30;
	v48 =	vld.idx.msk [tilespmem:v36+s2+$0x0], $0xffff  }
0xd4: {  	v49 =	vnsel vm13, $0x0, v33;
	v50 =	vld.idx.msk [tilespmem:v36+s14+$0x0], $0xffff;
	v52 =	vnsel vm13, $0x0, v35;
	v54 =	vnsel vm14, $0x0, v38  }
0xd5: {  	v57 =	vnsel vm14, $0x0, v40;
	vm7 =	vlt.s32 v51, v2;
	v8 =	vadd.f32 v61, v8;
	v53 =	vld.idx.msk [tilespmem:v41+s15+$0x0], $0xffff  }
0xd6: {  	vm8 =	vlt.s32 v56, v3;
	v9 =	vadd.f32 v27, v9;
	v7 =	vadd.f32 v29, v7;
	v55 =	vld.idx.msk [tilespmem:v41+s16+$0x0], $0xffff  }
0xd7: {  	v10 =	vadd.f32 v32, v10;
	v61 =	vadd.s32 $0x29, v4;
	v29 =	vadd.s32 $0x2A, v5;
	v58 =	vld.idx.msk [tilespmem:v46+s2+$0x0], $0xffff  }
0xd8: {  	v60 =	vld.idx.msk [tilespmem:v46+s14+$0x0], $0xffff;
	vm9 =	vlt.s32 v61, v2;
	vm10 =	vlt.s32 v29, v3;
	v8 =	vadd.f32 v34, v8  }
0xd9: {  	v9 =	vadd.f32 v37, v9;
	v7 =	vadd.f32 v39, v7;
	v34 =	vadd.s32 $0x2A, v4;
	v63 =	vld.idx.msk [tilespmem:v51+s15+$0x0], $0xffff  }
0xda: {  	v10 =	vadd.f32 v42, v10;
	v39 =	vadd.s32 $0x2B, v5;
	v28 =	vld.idx.msk [tilespmem:v51+s16+$0x0], $0xffff;
	vm11 =	vlt.s32 v34, v2  }
0xdb: {  	v31 =	vld.idx.msk [tilespmem:v56+s2+$0x0], $0xffff;
	vm12 =	vlt.s32 v39, v3;
	v8 =	vadd.f32 v44, v8;
	v9 =	vadd.f32 v47, v9  }
0xdc: {  	v33 =	vld.idx.msk [tilespmem:v56+s14+$0x0], $0xffff;
	v7 =	vadd.f32 v49, v7;
	v10 =	vadd.f32 v52, v10;
	v59 =	vnsel vm15, $0x0, v43  }
0xdd: {  	v62 =	vnsel vm15, $0x0, v45;
	v27 =	vnsel vm4, $0x0, v48;
	v44 =	vadd.s32 $0x2B, v4;
	v36 =	vld.idx.msk [tilespmem:v61+s15+$0x0], $0xffff  }
0xde: {  	v30 =	vnsel vm4, $0x0, v50;
	v49 =	vadd.s32 $0x2C, v5;
	v38 =	vld.idx.msk [tilespmem:v61+s16+$0x0], $0xffff;
	vm13 =	vlt.s32 v44, v2  }
0xdf: {  	v41 =	vld.idx.msk [tilespmem:v29+s2+$0x0], $0xffff;
	vm14 =	vlt.s32 v49, v3;
	v8 =	vadd.f32 v54, v8;
	v9 =	vadd.f32 v57, v9  }
0xe0: {  	v43 =	vld.idx.msk [tilespmem:v29+s14+$0x0], $0xffff;
	v7 =	vadd.f32 v59, v7;
	v10 =	vadd.f32 v62, v10;
	v32 =	vnsel vm5, $0x0, v53  }
0xe1: {  	v35 =	vnsel vm5, $0x0, v55;
	v37 =	vnsel vm6, $0x0, v58;
	v54 =	vadd.s32 $0x2C, v4;
	v46 =	vld.idx.msk [tilespmem:v34+s15+$0x0], $0xffff  }
0xe2: {  	v40 =	vnsel vm6, $0x0, v60;
	v59 =	vadd.s32 $0x2D, v5;
	v48 =	vld.idx.msk [tilespmem:v34+s16+$0x0], $0xffff;
	vm15 =	vlt.s32 v54, v2  }
0xe3: {  	v51 =	vld.idx.msk [tilespmem:v39+s2+$0x0], $0xffff;
	vm4 =	vlt.s32 v59, v3;
	v8 =	vadd.f32 v27, v8;
	v9 =	vadd.f32 v30, v9  }
0xe4: {  	v53 =	vld.idx.msk [tilespmem:v39+s14+$0x0], $0xffff;
	v7 =	vadd.f32 v32, v7;
	v10 =	vadd.f32 v35, v10;
	v42 =	vnsel vm7, $0x0, v63  }
0xe5: {  	v45 =	vnsel vm7, $0x0, v28;
	v47 =	vnsel vm8, $0x0, v31;
	v28 =	vadd.s32 $0x2D, v4;
	v56 =	vld.idx.msk [tilespmem:v44+s15+$0x0], $0xffff  }
0xe6: {  	v50 =	vnsel vm8, $0x0, v33;
	v33 =	vadd.s32 $0x2E, v5;
	v58 =	vld.idx.msk [tilespmem:v44+s16+$0x0], $0xffff;
	vm5 =	vlt.s32 v28, v2  }
0xe7: {  	v61 =	vld.idx.msk [tilespmem:v49+s2+$0x0], $0xffff;
	vm6 =	vlt.s32 v33, v3;
	v8 =	vadd.f32 v37, v8;
	v9 =	vadd.f32 v40, v9  }
0xe8: {  	v63 =	vld.idx.msk [tilespmem:v49+s14+$0x0], $0xffff;
	v7 =	vadd.f32 v42, v7;
	v10 =	vadd.f32 v45, v10;
	v52 =	vnsel vm9, $0x0, v36  }
0xe9: {  	v55 =	vnsel vm9, $0x0, v38;
	v57 =	vnsel vm10, $0x0, v41;
	v38 =	vadd.s32 $0x2E, v4;
	v30 =	vld.idx.msk [tilespmem:v54+s15+$0x0], $0xffff  }
0xea: {  	v60 =	vnsel vm10, $0x0, v43;
	v43 =	vadd.s32 $0x2F, v5;
	v32 =	vld.idx.msk [tilespmem:v54+s16+$0x0], $0xffff;
	vm7 =	vlt.s32 v38, v2  }
0xeb: {  	v35 =	vld.idx.msk [tilespmem:v59+s2+$0x0], $0xffff;
	vm8 =	vlt.s32 v43, v3;
	v8 =	vadd.f32 v47, v8;
	v9 =	vadd.f32 v50, v9  }
0xec: {  	v37 =	vld.idx.msk [tilespmem:v59+s14+$0x0], $0xffff;
	v7 =	vadd.f32 v52, v7;
	v10 =	vadd.f32 v55, v10;
	v62 =	vnsel vm11, $0x0, v46  }
0xed: {  	v29 =	vnsel vm11, $0x0, v48;
	v31 =	vnsel vm12, $0x0, v51;
	v48 =	vadd.s32 $0x2F, v4;
	v40 =	vld.idx.msk [tilespmem:v28+s15+$0x0], $0xffff  }
0xee: {  	v34 =	vnsel vm12, $0x0, v53;
	v53 =	vadd.s32 $0x30, v5;
	v42 =	vld.idx.msk [tilespmem:v28+s16+$0x0], $0xffff;
	vm9 =	vlt.s32 v48, v2  }
0xef: {  	v45 =	vld.idx.msk [tilespmem:v33+s2+$0x0], $0xffff;
	vm10 =	vlt.s32 v53, v3;
	v8 =	vadd.f32 v57, v8;
	v9 =	vadd.f32 v60, v9  }
0xf0: {  	v47 =	vld.idx.msk [tilespmem:v33+s14+$0x0], $0xffff;
	v7 =	vadd.f32 v62, v7;
	v10 =	vadd.f32 v29, v10;
	v36 =	vnsel vm13, $0x0, v56  }
0xf1: {  	v39 =	vnsel vm13, $0x0, v58;
	v41 =	vnsel vm14, $0x0, v61;
	v58 =	vadd.s32 $0x30, v4;
	v50 =	vld.idx.msk [tilespmem:v38+s15+$0x0], $0xffff  }
0xf2: {  	v44 =	vnsel vm14, $0x0, v63;
	v63 =	vadd.s32 $0x31, v5;
	v52 =	vld.idx.msk [tilespmem:v38+s16+$0x0], $0xffff;
	vm11 =	vlt.s32 v58, v2  }
0xf3: {  	v55 =	vld.idx.msk [tilespmem:v43+s2+$0x0], $0xffff;
	vm12 =	vlt.s32 v63, v3;
	v8 =	vadd.f32 v31, v8;
	v9 =	vadd.f32 v34, v9  }
0xf4: {  	v57 =	vld.idx.msk [tilespmem:v43+s14+$0x0], $0xffff;
	v7 =	vadd.f32 v36, v7;
	v10 =	vadd.f32 v39, v10;
	v46 =	vnsel vm15, $0x0, v30  }
0xf5: {  	v49 =	vnsel vm15, $0x0, v32;
	v51 =	vnsel vm4, $0x0, v35;
	v32 =	vadd.s32 $0x31, v4;
	v60 =	vld.idx.msk [tilespmem:v48+s15+$0x0], $0xffff  }
0xf6: {  	v54 =	vnsel vm4, $0x0, v37;
	v37 =	vadd.s32 $0x32, v5;
	v62 =	vld.idx.msk [tilespmem:v48+s16+$0x0], $0xffff;
	vm13 =	vlt.s32 v32, v2  }
0xf7: {  	v29 =	vld.idx.msk [tilespmem:v53+s2+$0x0], $0xffff;
	vm14 =	vlt.s32 v37, v3;
	v8 =	vadd.f32 v41, v8;
	v9 =	vadd.f32 v44, v9  }
0xf8: {  	v31 =	vld.idx.msk [tilespmem:v53+s14+$0x0], $0xffff;
	v7 =	vadd.f32 v46, v7;
	v10 =	vadd.f32 v49, v10;
	v56 =	vnsel vm5, $0x0, v40  }
0xf9: {  	v59 =	vnsel vm5, $0x0, v42;
	v61 =	vnsel vm6, $0x0, v45;
	v42 =	vadd.s32 $0x32, v4;
	v34 =	vld.idx.msk [tilespmem:v58+s15+$0x0], $0xffff  }
0xfa: {  	v28 =	vnsel vm6, $0x0, v47;
	v47 =	vadd.s32 $0x33, v5;
	v36 =	vld.idx.msk [tilespmem:v58+s16+$0x0], $0xffff;
	vm15 =	vlt.s32 v42, v2  }
0xfb: {  	v39 =	vld.idx.msk [tilespmem:v63+s2+$0x0], $0xffff;
	vm4 =	vlt.s32 v47, v3;
	v8 =	vadd.f32 v51, v8;
	v9 =	vadd.f32 v54, v9  }
0xfc: {  	v41 =	vld.idx.msk [tilespmem:v63+s14+$0x0], $0xffff;
	v7 =	vadd.f32 v56, v7;
	v10 =	vadd.f32 v59, v10;
	v30 =	vnsel vm7, $0x0, v50  }
0xfd: {  	v33 =	vnsel vm7, $0x0, v52;
	v35 =	vnsel vm8, $0x0, v55;
	v52 =	vadd.s32 $0x33, v4;
	v44 =	vld.idx.msk [tilespmem:v32+s15+$0x0], $0xffff  }
0xfe: {  	v38 =	vnsel vm8, $0x0, v57;
	v57 =	vadd.s32 $0x34, v5;
	v46 =	vld.idx.msk [tilespmem:v32+s16+$0x0], $0xffff;
	vm5 =	vlt.s32 v52, v2  }
0xff: {  	v49 =	vld.idx.msk [tilespmem:v37+s2+$0x0], $0xffff;
	vm6 =	vlt.s32 v57, v3;
	v8 =	vadd.f32 v61, v8;
	v9 =	vadd.f32 v28, v9  }
0x100: {  	v51 =	vld.idx.msk [tilespmem:v37+s14+$0x0], $0xffff;
	v7 =	vadd.f32 v30, v7;
	v10 =	vadd.f32 v33, v10;
	v40 =	vnsel vm9, $0x0, v60  }
0x101: {  	v43 =	vnsel vm9, $0x0, v62;
	v45 =	vnsel vm10, $0x0, v29;
	v48 =	vnsel vm10, $0x0, v31;
	v54 =	vld.idx.msk [tilespmem:v42+s15+$0x0], $0xffff  }
0x102: {  	v62 =	vadd.s32 $0x34, v4;
	v28 =	vadd.s32 $0x35, v5;
	v33 =	vadd.s32 $0x35, v4;
	v56 =	vld.idx.msk [tilespmem:v42+s16+$0x0], $0xffff  }
0x103: {  	v59 =	vld.idx.msk [tilespmem:v47+s2+$0x0], $0xffff;
	vm7 =	vlt.s32 v62, v2;
	vm8 =	vlt.s32 v28, v3;
	v8 =	vadd.f32 v35, v8  }
0x104: {  	v61 =	vld.idx.msk [tilespmem:v47+s14+$0x0], $0xffff;
	vm9 =	vlt.s32 v33, v2;
	v9 =	vadd.f32 v38, v9;
	v7 =	vadd.f32 v40, v7  }
0x105: {  	v10 =	vadd.f32 v43, v10;
	v50 =	vnsel vm11, $0x0, v34;
	v53 =	vnsel vm11, $0x0, v36;
	v25 =	vld.idx.msk [tilespmem:v52+s15+$0x0], $0xffff  }
0x106: {  	v55 =	vnsel vm12, $0x0, v39;
	v58 =	vnsel vm12, $0x0, v41;
	v38 =	vadd.s32 $0x36, v5;
	v27 =	vld.idx.msk [tilespmem:v52+s16+$0x0], $0xffff  }
0x107: {  	v43 =	vadd.s32 $0x36, v4;
	v30 =	vld.idx.msk [tilespmem:v57+s2+$0x0], $0xffff;
	vm10 =	vlt.s32 v38, v3;
	v8 =	vadd.f32 v45, v8  }
0x108: {  	v32 =	vld.idx.msk [tilespmem:v57+s14+$0x0], $0xffff;
	vm11 =	vlt.s32 v43, v2;
	v9 =	vadd.f32 v48, v9;
	v7 =	vadd.f32 v50, v7  }
0x109: {  	v10 =	vadd.f32 v53, v10;
	v60 =	vnsel vm13, $0x0, v44;
	v63 =	vnsel vm13, $0x0, v46;
	v35 =	vld.idx.msk [tilespmem:v62+s15+$0x0], $0xffff  }
0x10a: {  	v26 =	vnsel vm14, $0x0, v49;
	v29 =	vnsel vm14, $0x0, v51;
	v48 =	vadd.s32 $0x37, v5;
	v37 =	vld.idx.msk [tilespmem:v62+s16+$0x0], $0xffff  }
0x10b: {  	v53 =	vadd.s32 $0x37, v4;
	v40 =	vld.idx.msk [tilespmem:v28+s2+$0x0], $0xffff;
	vm12 =	vlt.s32 v48, v3;
	v8 =	vadd.f32 v55, v8  }
0x10c: {  	v42 =	vld.idx.msk [tilespmem:v28+s14+$0x0], $0xffff;
	vm13 =	vlt.s32 v53, v2;
	v9 =	vadd.f32 v58, v9;
	v7 =	vadd.f32 v60, v7  }
0x10d: {  	v45 =	vld.idx.msk [tilespmem:v33+s15+$0x0], $0xffff;
	v10 =	vadd.f32 v63, v10;
	v31 =	vnsel vm15, $0x0, v54;
	v34 =	vnsel vm15, $0x0, v56  }
0x10e: {  	v47 =	vld.idx.msk [tilespmem:v33+s16+$0x0], $0xffff;
	v36 =	vnsel vm4, $0x0, v59;
	v39 =	vnsel vm4, $0x0, v61;
	v58 =	vadd.s32 $0x38, v5  }
0x10f: {  	v63 =	vadd.s32 $0x38, v4;
	v50 =	vld.idx.msk [tilespmem:v38+s2+$0x0], $0xffff;
	vm14 =	vlt.s32 v58, v3;
	v8 =	vadd.f32 v26, v8  }
0x110: {  	v52 =	vld.idx.msk [tilespmem:v38+s14+$0x0], $0xffff;
	vm15 =	vlt.s32 v63, v2;
	v9 =	vadd.f32 v29, v9;
	v7 =	vadd.f32 v31, v7  }
0x111: {  	v55 =	vld.idx.msk [tilespmem:v43+s15+$0x0], $0xffff;
	v10 =	vadd.f32 v34, v10;
	v41 =	vnsel vm5, $0x0, v25;
	v44 =	vnsel vm5, $0x0, v27  }
0x112: {  	v57 =	vld.idx.msk [tilespmem:v43+s16+$0x0], $0xffff;
	v46 =	vnsel vm6, $0x0, v30;
	v49 =	vnsel vm6, $0x0, v32;
	v31 =	vadd.s32 $0x39, v5  }
0x113: {  	v60 =	vld.idx.msk [tilespmem:v48+s2+$0x0], $0xffff;
	vm4 =	vlt.s32 v31, v3;
	v8 =	vadd.f32 v36, v8;
	v9 =	vadd.f32 v39, v9  }
0x114: {  	v62 =	vld.idx.msk [tilespmem:v48+s14+$0x0], $0xffff;
	v7 =	vadd.f32 v41, v7;
	v10 =	vadd.f32 v44, v10;
	v51 =	vnsel vm7, $0x0, v35  }
0x115: {  	v28 =	vld.idx.msk [tilespmem:v53+s15+$0x0], $0xffff;
	v54 =	vnsel vm7, $0x0, v37;
	v56 =	vnsel vm8, $0x0, v40;
	v59 =	vnsel vm8, $0x0, v42  }
0x116: {  	v30 =	vld.idx.msk [tilespmem:v53+s16+$0x0], $0xffff;
	v61 =	vnsel vm9, $0x0, v45;
	v27 =	vnsel vm9, $0x0, v47;
	v36 =	vadd.s32 $0x39, v4  }
0x117: {  	v41 =	vadd.s32 $0x3A, v5;
	v33 =	vld.idx.msk [tilespmem:v58+s2+$0x0], $0xffff;
	vm5 =	vlt.s32 v36, v2;
	v8 =	vadd.f32 v46, v8  }
0x118: {  	v35 =	vld.idx.msk [tilespmem:v58+s14+$0x0], $0xffff;
	vm6 =	vlt.s32 v41, v3;
	v9 =	vadd.f32 v49, v9;
	v7 =	vadd.f32 v51, v7  }
0x119: {  	v38 =	vld.idx.msk [tilespmem:v63+s15+$0x0], $0xffff;
	v10 =	vadd.f32 v54, v10;
	v29 =	vnsel vm10, $0x0, v50;
	v32 =	vnsel vm10, $0x0, v52  }
0x11a: {  	v40 =	vld.idx.msk [tilespmem:v63+s16+$0x0], $0xffff;
	v34 =	vnsel vm11, $0x0, v55;
	v37 =	vnsel vm11, $0x0, v57;
	v46 =	vadd.s32 $0x3A, v4  }
0x11b: {  	v51 =	vadd.s32 $0x3B, v5;
	v43 =	vld.idx.msk [tilespmem:v31+s2+$0x0], $0xffff;
	vm7 =	vlt.s32 v46, v2;
	v8 =	vadd.f32 v56, v8  }
0x11c: {  	v45 =	vld.idx.msk [tilespmem:v31+s14+$0x0], $0xffff;
	vm8 =	vlt.s32 v51, v3;
	v9 =	vadd.f32 v59, v9;
	v7 =	vadd.f32 v61, v7  }
0x11d: {  	v10 =	vadd.f32 v27, v10;
	v39 =	vnsel vm12, $0x0, v60;
	v42 =	vnsel vm12, $0x0, v62;
	v48 =	vld.idx.msk [tilespmem:v36+s15+$0x0], $0xffff  }
0x11e: {  	v44 =	vnsel vm13, $0x0, v28;
	v47 =	vnsel vm13, $0x0, v30;
	v56 =	vadd.s32 $0x3B, v4;
	v50 =	vld.idx.msk [tilespmem:v36+s16+$0x0], $0xffff  }
0x11f: {  	v61 =	vadd.s32 $0x3C, v5;
	v30 =	vadd.s32 $0x3C, v4;
	v53 =	vld.idx.msk [tilespmem:v41+s2+$0x0], $0xffff;
	vm9 =	vlt.s32 v56, v2  }
0x120: {  	v55 =	vld.idx.msk [tilespmem:v41+s14+$0x0], $0xffff;
	vm10 =	vlt.s32 v61, v3;
	v8 =	vadd.f32 v29, v8;
	v9 =	vadd.f32 v32, v9  }
0x121: {  	vm11 =	vlt.s32 v30, v2;
	v7 =	vadd.f32 v34, v7;
	v10 =	vadd.f32 v37, v10;
	v58 =	vld.idx.msk [tilespmem:v46+s15+$0x0], $0xffff  }
0x122: {  	v49 =	vnsel vm14, $0x0, v33;
	v52 =	vnsel vm14, $0x0, v35;
	v54 =	vnsel vm15, $0x0, v38;
	v60 =	vld.idx.msk [tilespmem:v46+s16+$0x0], $0xffff  }
0x123: {  	v57 =	vnsel vm15, $0x0, v40;
	v35 =	vadd.s32 $0x3D, v5;
	v40 =	vadd.s32 $0x3D, v4;
	v63 =	vld.idx.msk [tilespmem:v51+s2+$0x0], $0xffff  }
0x124: {  	v5 =	vadd.s32 $0x3E, v5;
	v4 =	vadd.s32 $0x3E, v4;
	v29 =	vld.idx.msk [tilespmem:v51+s14+$0x0], $0xffff;
	vm12 =	vlt.s32 v35, v3  }
0x125: {  	vm13 =	vlt.s32 v40, v2;
	vm14 =	vlt.s32 v5, v3;
	v8 =	vadd.f32 v39, v8;
	v32 =	vld.idx.msk [tilespmem:v56+s15+$0x0], $0xffff  }
0x126: {  	vm15 =	vlt.s32 v4, v2;
	v9 =	vadd.f32 v42, v9;
	v7 =	vadd.f32 v44, v7;
	v34 =	vld.idx.msk [tilespmem:v56+s16+$0x0], $0xffff  }
0x127: {  	v10 =	vadd.f32 v47, v10;
	v59 =	vnsel vm4, $0x0, v43;
	v37 =	vld.idx.msk [tilespmem:v61+s2+$0x0], $0xffff;
	v8 =	vadd.f32 v49, v8  }
0x128: {  	v62 =	vnsel vm4, $0x0, v45;
	v39 =	vld.idx.msk [tilespmem:v61+s14+$0x0], $0xffff;
	v9 =	vadd.f32 v52, v9;
	v7 =	vadd.f32 v54, v7  }
0x129: {  	v41 =	vld.idx.msk [tilespmem:v30+s15+$0x0], $0xffff;
	v10 =	vadd.f32 v57, v10;
	v28 =	vnsel vm5, $0x0, v48;
	v31 =	vnsel vm5, $0x0, v50  }
0x12a: {  	v42 =	vld.idx.msk [tilespmem:v30+s16+$0x0], $0xffff;
	v33 =	vnsel vm6, $0x0, v53;
	v8 =	vadd.f32 v59, v8;
	v9 =	vadd.f32 v62, v9  }
0x12b: {  	v36 =	vnsel vm6, $0x0, v55;
	v44 =	vld.idx.msk [tilespmem:v35+s2+$0x0], $0xffff;
	v7 =	vadd.f32 v28, v7;
	v10 =	vadd.f32 v31, v10  }
0x12c: {  	v46 =	vld.idx.msk [tilespmem:v35+s14+$0x0], $0xffff;
	v38 =	vnsel vm7, $0x0, v58;
	v17 =	vnsel vm7, $0x0, v60;
	v14 =	vnsel vm8, $0x0, v63  }
0x12d: {  	v48 =	vld.idx.msk [tilespmem:v40+s15+$0x0], $0xffff;
	v45 =	vnsel vm8, $0x0, v29;
	v8 =	vadd.f32 v33, v8;
	v9 =	vadd.f32 v36, v9  }
0x12e: {  	v49 =	vld.idx.msk [tilespmem:v40+s16+$0x0], $0xffff;
	v7 =	vadd.f32 v38, v7;
	v43 =	vadd.f32 v17, v10;
	v13 =	vnsel vm9, $0x0, v32  }
0x12f: {  	v51 =	vld.idx.msk [tilespmem:v5+s2+$0x0], $0xffff;
	v47 =	vnsel vm9, $0x0, v34;
	v50 =	vnsel vm10, $0x0, v37;
	v12 =	vnsel vm10, $0x0, v39  }
0x130: {  	v54 =	vld.idx.msk [tilespmem:v4+s15+$0x0], $0xffff;
	v11 =	vnsel vm11, $0x0, v41;
	v8 =	vadd.f32 v14, v8;
	v9 =	vadd.f32 v45, v9  }
0x131: {  	v52 =	vld.idx.msk [tilespmem:v5+s14+$0x0], $0xffff;
	v53 =	vnsel vm11, $0x0, v42;
	v7 =	vadd.f32 v13, v7;
	v6 =	vadd.f32 v47, v43  }
0x132: {  	v55 =	vld.idx.msk [tilespmem:v4+s16+$0x0], $0xffff;
	v10 =	vnsel vm12, $0x0, v44;
	v56 =	vnsel vm12, $0x0, v46;
	v57 =	vnsel vm13, $0x0, v48  }
0x133: {  	v3 =	vnsel vm13, $0x0, v49;
	v8 =	vadd.f32 v50, v8;
	v7 =	vadd.f32 v11, v7  }
0x134: {  	v2 =	vnsel vm14, $0x0, v51;
	v9 =	vadd.f32 v12, v9;
	v6 =	vadd.f32 v53, v6  }
0x135: {  	v4 =	vnsel vm15, $0x0, v54;
	v8 =	vadd.f32 v10, v8;
	v7 =	vadd.f32 v57, v7  }
0x136: {  	v59 =	vnsel vm14, $0x0, v52;
	v9 =	vadd.f32 v56, v9;
	v3 =	vadd.f32 v3, v6  }
0x137: {  	v58 =	vpop (erf);
	v60 =	vnsel vm15, $0x0, v55;
	v2 =	vadd.f32 v2, v8;
	v4 =	vadd.f32 v4, v7  }
0x138: {  	v62 =	vld [tilespmem:$0x2080];
	v61 =	vpop (erf);
	v6 =	vadd.f32 v59, v9;
	v3 =	vadd.f32 v60, v3  }
0x139: {  	v63 =	vld [tilespmem:$0x2090];
	v2 =	vmul.f32 v2, v58;
	v4 =	vmul.f32 v4, v61  }
0x13a: {  	v5 =	vmul.f32 v6, v58;
	v3 =	vmul.f32 v3, v61  }
0x13b: {  	v2 =	vadd.f32 v4, v2  }
0x13c: {  	v3 =	vadd.f32 v3, v5  }
0x13d: {  	v2 =	vadd.f32 v2, v62  }
0x13e: {  	v3 =	vadd.f32 v3, v63  }
0x13f: {  	p0 =	sne.s32 s11, $0x1;
	[tilespmem:v0+s19+$0x0] =	vst.idx.msk $0xffff, v2  }
.Ltmp0:
0x140: {  	[tilespmem:v1+s19+$0x0] =	vst.idx.msk $0xffff, v3;
	(pc) =	sbr.rel @p0 .LBB2_1-.Ltmp0, $4  }
0x141: {  	[hbm4b:s10+s2] =	stream.linear.scatter [tilespmem:s19], [sflag:$0x2], $0x20, $0x38;
	[tilespmem:$0x2180] =	vst v63  }
0x142: {  	_ =	swait.ge [sflag:s20], $0x20  }
0x143: {  	[sflag:s20] =	ssyncset.done $0x0  }
0x144: {  	s11 =	sadd.s32 $0xFFFFFFFF, s11;
	[sflag:s20] =	ssyncadd.s32 $0xFFFFFFE0  }
0x145: {  	_ =	sfence.sel $0x180000  }
0x146: {  	[bflag:$0x0] =	sbarrier.arrive $0xFFFF  }
0x147: {  	p0 =	sne.s32 s0, $0x0;
	_ =	strace $0x90000047  }
0x148: {  	s0 =	sadd.s32 @!p0 $0x100000, s1;
	[bflag:$0x2] =	sbarrier.arrive $0xFFFF  }
0x149: {  	[sflag:s0] =	ssyncadd.tile.s32 @!p0 $0x1;
	_ =	shalt  }
.Lfunc_end2:
_tile_overlayer_lowered:
.L_overlay_start_2:
0x14a: {  	(tag) =	ssettag $0x2  }
0x14b: {  	s0 =	rddreg [dreg:$0x0];
	s2 =	stileid.u32  }
0x14c: {  	s1 =	rddreg [dreg:$0x1];
	p0 =	sne.s32 s2, $0x0  }
0x14d: {  	s3 =	rddreg [dreg:$0x2];
	[bflag:$0x3] =	sbarrier.arrive $0xFFFF;
	s2 =	simm.s32 @!p0 $0x1C02  }
0x14e: {  	[timem:s3], [sflag:s2] =	dma.local @!p0 [hbm:s0], s1  }
0x14f: {  	s0 =	simm.s32 @!p0 $0x2  }
0x150: {  	_ =	swait.ge @!p0 [sflag:s0], s1  }
0x151: {  	s1 =	ssub.s32 @!p0 $0x0, s1;
	[sflag:s0] =	ssyncset.done @!p0 $0x0  }
0x152: {  	[sflag:s0] =	ssyncadd.s32 @!p0 s1  }
0x153: {  	[bflag:$0x3] =	sbarrier.arrive $0xFFFF  }
0x154: {  	_ =	shalt  }

</sc_bundles>
